<compile_context>
chip_gen: v7x
topology: tpu7x:2x2x1
jax: 0.10.2.dev20260603
libtpu: 0.0.44.dev20260713+nightly
codegen_flags: <defaults>
</compile_context>

<pallas_src>
import functools

import numpy as np
import jax
import jax.numpy as jnp
from jax import lax
from jax.experimental import pallas as pl
from jax.experimental.pallas import tpu as pltpu
from jax.experimental.pallas import tpu_sc as plsc

_R2 = np.float32(0.4 * 0.4)
_NS = 32
_EPS = np.float32(1e-5)
_B = 2
_N = 4096
_M = 1024
_NQ = _B * _M
_NROWS = _NQ * _NS
_HI = jax.lax.Precision.DEFAULT

_NW = 32
_QPW = _NQ // _NW
_RPW = _NROWS // _NW
_GCH = 256
_NCH = _RPW // _GCH


def _g_body(xyz_ref, feat_ref, w1a_ref, w1b_ref, o_ref):
    x = xyz_ref[0]
    f = feat_ref[0]
    dn = (((0,), (0,)), ((), ()))
    o = lax.dot_general(x, w1a_ref[...], dn, precision=_HI,
                        preferred_element_type=jnp.float32)
    o += lax.dot_general(f, w1b_ref[...], dn, precision=_HI,
                         preferred_element_type=jnp.float32)
    o_ref[...] = o


def _g_table(xyz3, feat, w1at, w1bt):
    nb = 512
    nblk = _N // nb
    return pl.pallas_call(
        _g_body,
        grid=(_B * nblk,),
        in_specs=[
            pl.BlockSpec((1, 3, nb), lambda i: (i // nblk, 0, i % nblk)),
            pl.BlockSpec((1, 128, nb), lambda i: (i // nblk, 0, i % nblk)),
            pl.BlockSpec((3, 128), lambda i: (0, 0)),
            pl.BlockSpec((128, 128), lambda i: (0, 0)),
        ],
        out_specs=pl.BlockSpec((nb, 128), lambda i: (i, 0)),
        out_shape=jax.ShapeDtypeStruct((_B * _N, 128), jnp.float32),
    )(xyz3, feat, w1at, w1bt)


def _scfused_body(xyz_hbm, new_hbm, table_hbm, y1_hbm,
                  pts_v, q_v, buf_v, idx_v, rb0, rb1, rb2,
                  gsem0, gsem1, gsem2, osem0, osem1, osem2):
    wid = lax.axis_index("s") * 2 + lax.axis_index("c")
    b = wid // 16
    qoff = (wid % 16) * _QPW
    pltpu.sync_copy(xyz_hbm.at[b], pts_v)
    for coord in range(3):
        pltpu.sync_copy(new_hbm.at[b, coord, pl.ds(qoff, _QPW)],
                        q_v.at[pl.ds(coord * _QPW, _QPW)])
    boff = b * _N
    nchunks = _N // 16
    qpc = _GCH // _NS

    def make_qbody(c):
        def qbody(j, carry):
            wq = c * qpc + j
            qi_v = jnp.full((16,), wq, jnp.int32)
            qx = plsc.load_gather(q_v, [qi_v])
            qy = plsc.load_gather(q_v, [qi_v + _QPW])
            qz = plsc.load_gather(q_v, [qi_v + 2 * _QPW])

            def cond(s):
                ch, cnt = s
                return (cnt < _NS) & (ch < nchunks)

            def body(s):
                ch, cnt = s
                base = ch * 16
                px = pts_v[0, pl.ds(base, 16)]
                py = pts_v[1, pl.ds(base, 16)]
                pz = pts_v[2, pl.ds(base, 16)]
                dx = px - qx
                dy = py - qy
                dz = pz - qz
                d2 = dx * dx + dy * dy + dz * dz
                msk = d2 < _R2
                iv = lax.iota(jnp.int32, 16) + base
                plsc.store_compressed(buf_v.at[pl.ds(cnt, 16)], iv, mask=msk)
                pc = plsc.all_reduce_population_count(msk)
                return ch + 1, cnt + jnp.max(pc)

            _, cnt = lax.while_loop(cond, body, (jnp.int32(0), jnp.int32(0)))
            cnt_v = jnp.full((16,), cnt, jnp.int32)
            first = plsc.load_gather(buf_v, [jnp.zeros((16,), jnp.int32)])
            pad = jnp.where(cnt_v > 0, first, jnp.zeros((16,), jnp.int32))
            for half in range(2):
                sv = lax.iota(jnp.int32, 16) + half * 16
                vals = buf_v[pl.ds(half * 16, 16)]
                idx_v[c, pl.ds(j * _NS + half * 16, 16)] = (
                    jnp.where(sv < cnt_v, vals, pad) + boff)
            return carry
        return qbody

    nbuf = 3
    bufs = (rb0, rb1, rb2)
    gsems = (gsem0, gsem1, gsem2)
    osems = (osem0, osem1, osem2)
    gcp = [None] * nbuf
    ocp = [None] * nbuf
    rbase = wid * _RPW
    for c in range(_NCH):
        lax.fori_loop(0, qpc, make_qbody(c), 0)
        sl = c % nbuf
        if c >= nbuf:
            ocp[sl].wait()
        gcp[sl] = pltpu.async_copy(table_hbm.at[idx_v.at[c]], bufs[sl],
                                   gsems[sl])
        if c >= 1:
            pb = (c - 1) % nbuf
            gcp[pb].wait()
            ocp[pb] = pltpu.async_copy(
                bufs[pb], y1_hbm.at[pl.ds(rbase + (c - 1) * _GCH, _GCH)],
                osems[pb])
    lb = (_NCH - 1) % nbuf
    gcp[lb].wait()
    ocp[lb] = pltpu.async_copy(
        bufs[lb], y1_hbm.at[pl.ds(rbase + (_NCH - 1) * _GCH, _GCH)],
        osems[lb])
    for k in range(nbuf):
        if ocp[k] is not None:
            ocp[k].wait()


def _sc_group_gather(xyz3, new3, table):
    mesh = plsc.VectorSubcoreMesh(core_axis_name="c", subcore_axis_name="s")
    fn = pl.kernel(
        _scfused_body,
        out_type=jax.ShapeDtypeStruct((_NROWS, 128), jnp.float32),
        mesh=mesh,
        compiler_params=pltpu.CompilerParams(needs_layout_passes=False,
                                             use_tc_tiling_on_sc=False),
        scratch_types=[
            pltpu.VMEM((3, _N), jnp.float32),
            pltpu.VMEM((3 * _QPW,), jnp.float32),
            pltpu.VMEM((48,), jnp.int32),
            pltpu.VMEM((_NCH, _GCH), jnp.int32),
            pltpu.VMEM((_GCH, 128), jnp.float32),
            pltpu.VMEM((_GCH, 128), jnp.float32),
            pltpu.VMEM((_GCH, 128), jnp.float32),
            pltpu.SemaphoreType.DMA,
            pltpu.SemaphoreType.DMA,
            pltpu.SemaphoreType.DMA,
            pltpu.SemaphoreType.DMA,
            pltpu.SemaphoreType.DMA,
            pltpu.SemaphoreType.DMA,
        ],
    )
    return fn(xyz3, new3, table)


def _q_block(new_ref, w1a_ref):
    dn = (((1,), (0,)), ((), ()))
    return lax.dot_general(new_ref[0], w1a_ref[...], dn, precision=_HI,
                           preferred_element_type=jnp.float32)


def _stats_body(y_ref, new_ref, w1a_ref, g1_ref, b1_ref, st1_ref, acc1):
    c = pl.program_id(0)
    nf = jnp.float32(_NROWS)

    @pl.when(c == 0)
    def _():
        acc1[...] = jnp.zeros_like(acc1)

    y3 = (y_ref[...].reshape(_NS, _NS, 128)
          - _q_block(new_ref, w1a_ref)[:, None, :])
    acc1[0:1] += jnp.sum(y3, axis=(0, 1)).reshape(1, 128)
    acc1[1:2] += jnp.sum(y3 * y3, axis=(0, 1)).reshape(1, 128)

    @pl.when(c == pl.num_programs(0) - 1)
    def _():
        mu = acc1[0:1] / nf
        var = acc1[1:2] / nf - mu * mu
        a1 = lax.rsqrt(var + _EPS) * g1_ref[...]
        st1_ref[0:1] = a1
        st1_ref[1:2] = b1_ref[...] - mu * a1


def _stats_pass(y1, new3, w1at, g1r, b1r):
    rows = _NS * _NS
    nch = _NROWS // rows
    qpc = _M // _NS
    return pl.pallas_call(
        _stats_body,
        grid=(nch,),
        in_specs=[
            pl.BlockSpec((rows, 128), lambda c: (c, 0)),
            pl.BlockSpec((1, _NS, 3), lambda c: (c // qpc, c % qpc, 0)),
            pl.BlockSpec((3, 128), lambda c: (0, 0)),
            pl.BlockSpec((1, 128), lambda c: (0, 0)),
            pl.BlockSpec((1, 128), lambda c: (0, 0)),
        ],
        out_specs=pl.BlockSpec((2, 128), lambda c: (0, 0)),
        out_shape=jax.ShapeDtypeStruct((2, 128), jnp.float32),
        scratch_shapes=[pltpu.VMEM((2, 128), jnp.float32)],
    )(y1, new3, w1at, g1r, b1r)


def _main_body(y_ref, new_ref, w1a_ref, w2t_ref, st1_ref, g2_ref, b2_ref,
               o_ref, m2_v, acc2):
    c = pl.program_id(0)
    nf = jnp.float32(_NROWS)

    @pl.when(c == 0)
    def _():
        acc2[...] = jnp.zeros_like(acc2)

    y3 = (y_ref[...].reshape(_NS, _NS, 128)
          - _q_block(new_ref, w1a_ref)[:, None, :])
    h = jnp.maximum(y3 * st1_ref[0:1].reshape(1, 1, 128)
                    + st1_ref[1:2].reshape(1, 1, 128), 0.0)
    y2 = lax.dot_general(h.reshape(_NS * _NS, 128), w2t_ref[...],
                         (((1,), (0,)), ((), ())), precision=_HI,
                         preferred_element_type=jnp.float32)
    acc2[0:1] += jnp.sum(y2, axis=0, keepdims=True)
    acc2[1:2] += jnp.sum(y2 * y2, axis=0, keepdims=True)
    m2_v[pl.ds(c * _NS, _NS), :] = jnp.max(y2.reshape(_NS, _NS, 256), axis=1)

    @pl.when(c == pl.num_programs(0) - 1)
    def _():
        mu2 = acc2[0:1] / nf
        var2 = acc2[1:2] / nf - mu2 * mu2
        a2 = lax.rsqrt(var2 + _EPS) * g2_ref[...]
        d2 = b2_ref[...] - mu2 * a2
        o_ref[...] = jnp.maximum(m2_v[...] * a2 + d2, 0.0)


def _main_pass(y1, new3, w1at, w2t, st1, g2r, b2r):
    rows = _NS * _NS
    nch = _NROWS // rows
    qpc = _M // _NS
    return pl.pallas_call(
        _main_body,
        grid=(nch,),
        in_specs=[
            pl.BlockSpec((rows, 128), lambda c: (c, 0)),
            pl.BlockSpec((1, _NS, 3), lambda c: (c // qpc, c % qpc, 0)),
            pl.BlockSpec((3, 128), lambda c: (0, 0)),
            pl.BlockSpec((128, 256), lambda c: (0, 0)),
            pl.BlockSpec((2, 128), lambda c: (0, 0)),
            pl.BlockSpec((1, 256), lambda c: (0, 0)),
            pl.BlockSpec((1, 256), lambda c: (0, 0)),
        ],
        out_specs=pl.BlockSpec((_NQ, 256), lambda c: (0, 0)),
        out_shape=jax.ShapeDtypeStruct((_NQ, 256), jnp.float32),
        scratch_shapes=[
            pltpu.VMEM((_NQ, 256), jnp.float32),
            pltpu.VMEM((2, 256), jnp.float32),
        ],
    )(y1, new3, w1at, w2t, st1, g2r, b2r)


def kernel(xyz, features, W1, g1, b1, W2, g2, b2):
    new_xyz_img = xyz[:, :, ::2, ::2]
    xyz3 = xyz.reshape(_B, 3, _N)
    new3 = new_xyz_img.reshape(_B, 3, _M)
    feat = features.reshape(_B, 128, _N)
    w1at = jnp.transpose(W1[:, :3])
    w1bt = jnp.transpose(W1[:, 3:])
    w2t = jnp.transpose(W2)

    g2d = _g_table(xyz3, feat, w1at, w1bt)
    y1 = _sc_group_gather(xyz3, new3, g2d)

    newt = jnp.transpose(new3, (0, 2, 1))
    st1 = _stats_pass(y1, newt, w1at,
                      g1.reshape(1, 128), b1.reshape(1, 128))
    out = _main_pass(y1, newt, w1at, w2t, st1,
                     g2.reshape(1, 256), b2.reshape(1, 256))
    out = out.reshape(_B, _M, 256).transpose(0, 2, 1).reshape(_B, 256, 32, 32)
    return (new_xyz_img, out)

# --- scband reference (transcript-rebuilt; emitter-appended) ---
"""Pipeline reference for scband-sa-30348238913931 (READ-ONLY COPY).

The authoritative reference and input builder live on the scoring server;
editing this copy changes nothing except your own understanding.
"""

import jax, jax.numpy as jnp
import numpy as np

RADIUS = 0.4
NSAMPLE = 32
EPS = 1e-5


def setup_inputs(seed: int = 0):
    key = jax.random.key(seed)
    ks = jax.random.split(key, 8)
    xyz = jax.random.uniform(ks[0], (2, 3, 64, 64), dtype=jnp.float32)
    features = jax.random.normal(ks[1], (2, 128, 64, 64), dtype=jnp.float32)
    W1 = jax.random.normal(ks[2], (128, 131), dtype=jnp.float32) * (1.0 / np.sqrt(131.0))
    g1 = jnp.ones((128,), jnp.float32)
    b1 = jnp.zeros((128,), jnp.float32)
    W2 = jax.random.normal(ks[3], (256, 128), dtype=jnp.float32) * (1.0 / np.sqrt(128.0))
    g2 = jnp.ones((256,), jnp.float32)
    b2 = jnp.zeros((256,), jnp.float32)
    return {"xyz": xyz, "features": features, "W1": W1, "g1": g1, "b1": b1, "W2": W2, "g2": g2, "b2": b2}


def _ball_query(xyz_pts, new_pts, radius, nsample):
    # xyz_pts: [B,N,3], new_pts: [B,M,3] -> idx [B,M,nsample]
    d2 = jnp.sum((new_pts[:, :, None, :] - xyz_pts[:, None, :, :]) ** 2, axis=-1)  # [B,M,N]
    N = xyz_pts.shape[1]
    ar = jnp.arange(N, dtype=jnp.int32)
    keys = jnp.where(d2 < radius * radius, ar[None, None, :], N)
    sk = jnp.sort(keys, axis=-1)[..., :nsample]  # first nsample in-radius indices (index order)
    first = sk[..., :1]
    idx = jnp.where(sk == N, jnp.broadcast_to(first, sk.shape), sk)
    idx = jnp.where(idx == N, 0, idx)
    return idx


def _bn_relu(x, g, b):
    # training-mode BatchNorm2d over (B, M, nsample) per channel
    mean = jnp.mean(x, axis=(0, 2, 3), keepdims=True)
    var = jnp.var(x, axis=(0, 2, 3), keepdims=True)
    y = (x - mean) / jnp.sqrt(var + EPS)
    y = y * g[None, :, None, None] + b[None, :, None, None]
    return jax.nn.relu(y)


def reference(xyz, features, W1, g1, b1, W2, g2, b2):
    B = xyz.shape[0]
    # use_HHA = 1: F.max_pool2d(kernel_size=1, stride=2) == strided subsample
    new_xyz_img = xyz[:, :, ::2, ::2]  # [B,3,H,W]
    H, Wd = new_xyz_img.shape[2], new_xyz_img.shape[3]
    C = features.shape[1]
    xyz_pts = jnp.transpose(xyz.reshape(B, 3, -1), (0, 2, 1))          # [B,N,3]
    new_pts = jnp.transpose(new_xyz_img.reshape(B, 3, -1), (0, 2, 1))  # [B,M,3]
    feat = features.reshape(B, C, -1)                                   # [B,C,N]
    idx = _ball_query(xyz_pts, new_pts, RADIUS, NSAMPLE)                # [B,M,ns]
    grouped_xyz = jax.vmap(lambda p, i: p[i])(xyz_pts, idx)             # [B,M,ns,3]
    grouped_xyz = grouped_xyz - new_pts[:, :, None, :]                  # relative coords
    grouped_xyz = jnp.transpose(grouped_xyz, (0, 3, 1, 2))              # [B,3,M,ns]
    grouped_feat = jax.vmap(lambda f, i: f[:, i])(feat, idx)            # [B,C,M,ns]
    x = jnp.concatenate([grouped_xyz, grouped_feat], axis=1)            # [B,C+3,M,ns]
    x = _bn_relu(jnp.einsum('oi,bimn->bomn', W1, x), g1, b1)
    x = _bn_relu(jnp.einsum('oi,bimn->bomn', W2, x), g2, b2)
    x = jnp.max(x, axis=-1)                                             # [B,256,M]
    return (new_xyz_img, x.reshape(B, -1, H, Wd))

if __name__ == "__main__":
    import jax
    _d = setup_inputs()
    print(jax.jit(kernel)(*tuple(_d.values())))

</pallas_src>

<mosaic_0001>
#map = affine_map<(d0, d1) -> (0, 0, 0)>
#map1 = affine_map<(d0, d1) -> (0, 0)>
module attributes {stable_mosaic.version = 14 : i64} {
  func.func @_scfused_body(%arg0: i32, %arg1: i32, %arg2: memref<2x3x4096xf32, #tpu.memory_space<hbm>>, %arg3: memref<2x3x1024xf32, #tpu.memory_space<hbm>>, %arg4: memref<8192x128xf32, #tpu.memory_space<hbm>>, %arg5: memref<65536x128xf32, #tpu.memory_space<hbm>>, %arg6: memref<3x4096xf32, #tpu.memory_space<vmem>>, %arg7: memref<192xf32, #tpu.memory_space<vmem>>, %arg8: memref<48xi32, #tpu.memory_space<vmem>>, %arg9: memref<8x256xi32, #tpu.memory_space<vmem>>, %arg10: memref<256x128xf32, #tpu.memory_space<vmem>>, %arg11: memref<256x128xf32, #tpu.memory_space<vmem>>, %arg12: memref<256x128xf32, #tpu.memory_space<vmem>>, %arg13: memref<!tpu.dma_semaphore, #tpu.memory_space<semaphore_mem>>, %arg14: memref<!tpu.dma_semaphore, #tpu.memory_space<semaphore_mem>>, %arg15: memref<!tpu.dma_semaphore, #tpu.memory_space<semaphore_mem>>, %arg16: memref<!tpu.dma_semaphore, #tpu.memory_space<semaphore_mem>>, %arg17: memref<!tpu.dma_semaphore, #tpu.memory_space<semaphore_mem>>, %arg18: memref<!tpu.dma_semaphore, #tpu.memory_space<semaphore_mem>>) attributes {dimension_semantics = [#tpu.dimension_semantics<core_parallel>, #tpu.dimension_semantics<subcore_parallel>], iteration_bounds = array<i64: 2, 16>, scalar_prefetch = 0 : i64, scratch_operands = 13 : i64, tpu.core_type = #tpu.core_type<sc_vector_subcore>, window_params = [{transform_indices = #map}, {transform_indices = #map}, {transform_indices = #map1}, {transform_indices = #map1}]} {
    %mul3A = arith.constant 2 : i32
    %mul3A_0 = arith.muli %arg1, %mul3A : i32
    %add3A = arith.addi %mul3A_0, %arg0 : i32
    %jit3A = arith.constant 16 : i32
    %div3A = arith.divsi %add3A, %jit3A : i32
    %sign3A = arith.constant 0 : i32
    %sign3A_1 = arith.cmpi sgt, %add3A, %sign3A : i32
    %sign3A_2 = arith.extui %sign3A_1 : i1 to i32
    %sign3A_3 = arith.constant 0 : i32
    %sign3A_4 = arith.cmpi slt, %add3A, %sign3A_3 : i32
    %sign3A_5 = arith.extui %sign3A_4 : i1 to i32
    %sign3A_6 = arith.subi %sign3A_2, %sign3A_5 : i32
    %sign3A_7 = arith.constant 0 : i32
    %sign3A_8 = arith.cmpi sgt, %jit3A, %sign3A_7 : i32
    %sign3A_9 = arith.extui %sign3A_8 : i1 to i32
    %sign3A_10 = arith.constant 0 : i32
    %sign3A_11 = arith.cmpi slt, %jit3A, %sign3A_10 : i32
    %sign3A_12 = arith.extui %sign3A_11 : i1 to i32
    %sign3A_13 = arith.subi %sign3A_9, %sign3A_12 : i32
    %ne3A = arith.cmpi ne, %sign3A_6, %sign3A_13 : i32
    %rem3A = arith.remsi %add3A, %jit3A : i32
    %ne3A_14 = arith.constant 0 : i32
    %ne3A_15 = arith.cmpi ne, %rem3A, %ne3A_14 : i32
    %and3A = arith.andi %ne3A, %ne3A_15 : i1
    %sub3A = arith.constant 1 : i32
    %sub3A_16 = arith.subi %div3A, %sub3A : i32
    %select_n3A = arith.select %and3A, %sub3A_16, %div3A : i32
    %jit3A_17 = arith.constant 16 : i32
    %eq3A = arith.constant 0 : i32
    %eq3A_18 = arith.cmpi eq, %jit3A_17, %eq3A : i32
    %jit3A_19 = arith.constant 1 : i32
    %select_n3A_20 = arith.select %eq3A_18, %jit3A_19, %jit3A_17 : i32
    %rem3A_21 = arith.remsi %add3A, %select_n3A_20 : i32
    %ne3A_22 = arith.constant 0 : i32
    %ne3A_23 = arith.cmpi ne, %rem3A_21, %ne3A_22 : i32
    %lt3A = arith.constant 0 : i32
    %lt3A_24 = arith.cmpi slt, %rem3A_21, %lt3A : i32
    %lt3A_25 = arith.constant 0 : i32
    %lt3A_26 = arith.cmpi slt, %select_n3A_20, %lt3A_25 : i32
    %ne3A_27 = arith.xori %lt3A_24, %lt3A_26 : i1
    %and3A_28 = arith.andi %ne3A_27, %ne3A_23 : i1
    %add3A_29 = arith.addi %rem3A_21, %select_n3A_20 : i32
    %select_n3A_30 = arith.select %and3A_28, %add3A_29, %rem3A_21 : i32
    %mul3A_31 = arith.constant 64 : i32
    %mul3A_32 = arith.muli %select_n3A_30, %mul3A_31 : i32
    "tpu.region"() ({
      %run_scoped3A_276 = tpu.sem_alloc : memref<!tpu.dma_semaphore, #tpu.memory_space<semaphore_mem>>
      %dma_start3A_277 = arith.constant 0 : i32
      %dma_start3A_278 = arith.constant 0 : i32
      %dma_start3A_279 = tpu.memref_slice %arg2[%select_n3A, %dma_start3A_277, %dma_start3A_278] : memref<2x3x4096xf32, #tpu.memory_space<hbm>> -> memref<1x3x4096xf32, #tpu.memory_space<hbm>>
      %dma_start3A_280 = tpu.memref_squeeze %dma_start3A_279 : memref<1x3x4096xf32, #tpu.memory_space<hbm>> -> memref<3x4096xf32, #tpu.memory_space<hbm>>
      %dma_start3A_281 = arith.constant 0 : i32
      %dma_start3A_282 = arith.constant 0 : i32
      %dma_start3A_283 = tpu.memref_slice %arg2[%select_n3A, %dma_start3A_281, %dma_start3A_282] : memref<2x3x4096xf32, #tpu.memory_space<hbm>> -> memref<1x3x4096xf32, #tpu.memory_space<hbm>>
      %dma_start3A_284 = tpu.memref_squeeze %dma_start3A_283 : memref<1x3x4096xf32, #tpu.memory_space<hbm>> -> memref<3x4096xf32, #tpu.memory_space<hbm>>
      tpu.enqueue_dma source(%dma_start3A_284 : memref<3x4096xf32, #tpu.memory_space<hbm>>) target(%arg6 : memref<3x4096xf32, #tpu.memory_space<vmem>>) target_semaphore(%run_scoped3A_276 : memref<!tpu.dma_semaphore, #tpu.memory_space<semaphore_mem>>)
      %dma_wait3A_285 = arith.constant 0 : i32
      %dma_wait3A_286 = arith.constant 0 : i32
      %dma_wait3A_287 = tpu.memref_slice %arg2[%select_n3A, %dma_wait3A_285, %dma_wait3A_286] : memref<2x3x4096xf32, #tpu.memory_space<hbm>> -> memref<1x3x4096xf32, #tpu.memory_space<hbm>>
      %dma_wait3A_288 = tpu.memref_squeeze %dma_wait3A_287 : memref<1x3x4096xf32, #tpu.memory_space<hbm>> -> memref<3x4096xf32, #tpu.memory_space<hbm>>
      %dma_wait3A_289 = arith.constant 0 : i32
      %dma_wait3A_290 = arith.constant 0 : i32
      %dma_wait3A_291 = tpu.memref_slice %arg2[%select_n3A, %dma_wait3A_289, %dma_wait3A_290] : memref<2x3x4096xf32, #tpu.memory_space<hbm>> -> memref<1x3x4096xf32, #tpu.memory_space<hbm>>
      %dma_wait3A_292 = tpu.memref_squeeze %dma_wait3A_291 : memref<1x3x4096xf32, #tpu.memory_space<hbm>> -> memref<3x4096xf32, #tpu.memory_space<hbm>>
      tpu.wait_dma2 semaphore(%run_scoped3A_276 : memref<!tpu.dma_semaphore, #tpu.memory_space<semaphore_mem>>) src(%dma_wait3A_292 : memref<3x4096xf32, #tpu.memory_space<hbm>>) dst(%arg6 : memref<3x4096xf32, #tpu.memory_space<vmem>>)
      tpu.yield
    }) : () -> ()
    %run_scoped3A = arith.constant 0 : i32
    "tpu.region"() ({
      %run_scoped3A_276 = tpu.sem_alloc : memref<!tpu.dma_semaphore, #tpu.memory_space<semaphore_mem>>
      %dma_start3A_277 = arith.constant 0 : i32
      %dma_start3A_278 = tpu.memref_slice %arg7[%dma_start3A_277] : memref<192xf32, #tpu.memory_space<vmem>> -> memref<64xf32, #tpu.memory_space<vmem>>
      %dma_start3A_279 = tpu.memref_slice %arg3[%select_n3A, %run_scoped3A, %mul3A_32] : memref<2x3x1024xf32, #tpu.memory_space<hbm>> -> memref<1x1x64xf32, #tpu.memory_space<hbm>>
      %dma_start3A_280 = tpu.memref_squeeze %dma_start3A_279 : memref<1x1x64xf32, #tpu.memory_space<hbm>> -> memref<64xf32, #tpu.memory_space<hbm>>
      %dma_start3A_281 = arith.constant 0 : i32
      %dma_start3A_282 = tpu.memref_slice %arg7[%dma_start3A_281] : memref<192xf32, #tpu.memory_space<vmem>> -> memref<64xf32, #tpu.memory_space<vmem>>
      %dma_start3A_283 = tpu.memref_slice %arg3[%select_n3A, %run_scoped3A, %mul3A_32] : memref<2x3x1024xf32, #tpu.memory_space<hbm>> -> memref<1x1x64xf32, #tpu.memory_space<hbm>>
      %dma_start3A_284 = tpu.memref_squeeze %dma_start3A_283 : memref<1x1x64xf32, #tpu.memory_space<hbm>> -> memref<64xf32, #tpu.memory_space<hbm>>
      tpu.enqueue_dma source(%dma_start3A_284 : memref<64xf32, #tpu.memory_space<hbm>>) target(%dma_start3A_282 : memref<64xf32, #tpu.memory_space<vmem>>) target_semaphore(%run_scoped3A_276 : memref<!tpu.dma_semaphore, #tpu.memory_space<semaphore_mem>>)
      %dma_wait3A_285 = arith.constant 0 : i32
      %dma_wait3A_286 = tpu.memref_slice %arg7[%dma_wait3A_285] : memref<192xf32, #tpu.memory_space<vmem>> -> memref<64xf32, #tpu.memory_space<vmem>>
      %dma_wait3A_287 = tpu.memref_slice %arg3[%select_n3A, %run_scoped3A, %mul3A_32] : memref<2x3x1024xf32, #tpu.memory_space<hbm>> -> memref<1x1x64xf32, #tpu.memory_space<hbm>>
      %dma_wait3A_288 = tpu.memref_squeeze %dma_wait3A_287 : memref<1x1x64xf32, #tpu.memory_space<hbm>> -> memref<64xf32, #tpu.memory_space<hbm>>
      %dma_wait3A_289 = arith.constant 0 : i32
      %dma_wait3A_290 = tpu.memref_slice %arg7[%dma_wait3A_289] : memref<192xf32, #tpu.memory_space<vmem>> -> memref<64xf32, #tpu.memory_space<vmem>>
      %dma_wait3A_291 = tpu.memref_slice %arg3[%select_n3A, %run_scoped3A, %mul3A_32] : memref<2x3x1024xf32, #tpu.memory_space<hbm>> -> memref<1x1x64xf32, #tpu.memory_space<hbm>>
      %dma_wait3A_292 = tpu.memref_squeeze %dma_wait3A_291 : memref<1x1x64xf32, #tpu.memory_space<hbm>> -> memref<64xf32, #tpu.memory_space<hbm>>
      tpu.wait_dma2 semaphore(%run_scoped3A_276 : memref<!tpu.dma_semaphore, #tpu.memory_space<semaphore_mem>>) src(%dma_wait3A_292 : memref<64xf32, #tpu.memory_space<hbm>>) dst(%dma_wait3A_290 : memref<64xf32, #tpu.memory_space<vmem>>)
      tpu.yield
    }) : () -> ()
    %run_scoped3A_33 = arith.constant 1 : i32
    "tpu.region"() ({
      %run_scoped3A_276 = tpu.sem_alloc : memref<!tpu.dma_semaphore, #tpu.memory_space<semaphore_mem>>
      %dma_start3A_277 = arith.constant 64 : i32
      %dma_start3A_278 = tpu.memref_slice %arg7[%dma_start3A_277] : memref<192xf32, #tpu.memory_space<vmem>> -> memref<64xf32, #tpu.memory_space<vmem>>
      %dma_start3A_279 = tpu.memref_slice %arg3[%select_n3A, %run_scoped3A_33, %mul3A_32] : memref<2x3x1024xf32, #tpu.memory_space<hbm>> -> memref<1x1x64xf32, #tpu.memory_space<hbm>>
      %dma_start3A_280 = tpu.memref_squeeze %dma_start3A_279 : memref<1x1x64xf32, #tpu.memory_space<hbm>> -> memref<64xf32, #tpu.memory_space<hbm>>
      %dma_start3A_281 = arith.constant 64 : i32
      %dma_start3A_282 = tpu.memref_slice %arg7[%dma_start3A_281] : memref<192xf32, #tpu.memory_space<vmem>> -> memref<64xf32, #tpu.memory_space<vmem>>
      %dma_start3A_283 = tpu.memref_slice %arg3[%select_n3A, %run_scoped3A_33, %mul3A_32] : memref<2x3x1024xf32, #tpu.memory_space<hbm>> -> memref<1x1x64xf32, #tpu.memory_space<hbm>>
      %dma_start3A_284 = tpu.memref_squeeze %dma_start3A_283 : memref<1x1x64xf32, #tpu.memory_space<hbm>> -> memref<64xf32, #tpu.memory_space<hbm>>
      tpu.enqueue_dma source(%dma_start3A_284 : memref<64xf32, #tpu.memory_space<hbm>>) target(%dma_start3A_282 : memref<64xf32, #tpu.memory_space<vmem>>) target_semaphore(%run_scoped3A_276 : memref<!tpu.dma_semaphore, #tpu.memory_space<semaphore_mem>>)
      %dma_wait3A_285 = arith.constant 64 : i32
      %dma_wait3A_286 = tpu.memref_slice %arg7[%dma_wait3A_285] : memref<192xf32, #tpu.memory_space<vmem>> -> memref<64xf32, #tpu.memory_space<vmem>>
      %dma_wait3A_287 = tpu.memref_slice %arg3[%select_n3A, %run_scoped3A_33, %mul3A_32] : memref<2x3x1024xf32, #tpu.memory_space<hbm>> -> memref<1x1x64xf32, #tpu.memory_space<hbm>>
      %dma_wait3A_288 = tpu.memref_squeeze %dma_wait3A_287 : memref<1x1x64xf32, #tpu.memory_space<hbm>> -> memref<64xf32, #tpu.memory_space<hbm>>
      %dma_wait3A_289 = arith.constant 64 : i32
      %dma_wait3A_290 = tpu.memref_slice %arg7[%dma_wait3A_289] : memref<192xf32, #tpu.memory_space<vmem>> -> memref<64xf32, #tpu.memory_space<vmem>>
      %dma_wait3A_291 = tpu.memref_slice %arg3[%select_n3A, %run_scoped3A_33, %mul3A_32] : memref<2x3x1024xf32, #tpu.memory_space<hbm>> -> memref<1x1x64xf32, #tpu.memory_space<hbm>>
      %dma_wait3A_292 = tpu.memref_squeeze %dma_wait3A_291 : memref<1x1x64xf32, #tpu.memory_space<hbm>> -> memref<64xf32, #tpu.memory_space<hbm>>
      tpu.wait_dma2 semaphore(%run_scoped3A_276 : memref<!tpu.dma_semaphore, #tpu.memory_space<semaphore_mem>>) src(%dma_wait3A_292 : memref<64xf32, #tpu.memory_space<hbm>>) dst(%dma_wait3A_290 : memref<64xf32, #tpu.memory_space<vmem>>)
      tpu.yield
    }) : () -> ()
    %run_scoped3A_34 = arith.constant 2 : i32
    "tpu.region"() ({
      %run_scoped3A_276 = tpu.sem_alloc : memref<!tpu.dma_semaphore, #tpu.memory_space<semaphore_mem>>
      %dma_start3A_277 = arith.constant 128 : i32
      %dma_start3A_278 = tpu.memref_slice %arg7[%dma_start3A_277] : memref<192xf32, #tpu.memory_space<vmem>> -> memref<64xf32, #tpu.memory_space<vmem>>
      %dma_start3A_279 = tpu.memref_slice %arg3[%select_n3A, %run_scoped3A_34, %mul3A_32] : memref<2x3x1024xf32, #tpu.memory_space<hbm>> -> memref<1x1x64xf32, #tpu.memory_space<hbm>>
      %dma_start3A_280 = tpu.memref_squeeze %dma_start3A_279 : memref<1x1x64xf32, #tpu.memory_space<hbm>> -> memref<64xf32, #tpu.memory_space<hbm>>
      %dma_start3A_281 = arith.constant 128 : i32
      %dma_start3A_282 = tpu.memref_slice %arg7[%dma_start3A_281] : memref<192xf32, #tpu.memory_space<vmem>> -> memref<64xf32, #tpu.memory_space<vmem>>
      %dma_start3A_283 = tpu.memref_slice %arg3[%select_n3A, %run_scoped3A_34, %mul3A_32] : memref<2x3x1024xf32, #tpu.memory_space<hbm>> -> memref<1x1x64xf32, #tpu.memory_space<hbm>>
      %dma_start3A_284 = tpu.memref_squeeze %dma_start3A_283 : memref<1x1x64xf32, #tpu.memory_space<hbm>> -> memref<64xf32, #tpu.memory_space<hbm>>
      tpu.enqueue_dma source(%dma_start3A_284 : memref<64xf32, #tpu.memory_space<hbm>>) target(%dma_start3A_282 : memref<64xf32, #tpu.memory_space<vmem>>) target_semaphore(%run_scoped3A_276 : memref<!tpu.dma_semaphore, #tpu.memory_space<semaphore_mem>>)
      %dma_wait3A_285 = arith.constant 128 : i32
      %dma_wait3A_286 = tpu.memref_slice %arg7[%dma_wait3A_285] : memref<192xf32, #tpu.memory_space<vmem>> -> memref<64xf32, #tpu.memory_space<vmem>>
      %dma_wait3A_287 = tpu.memref_slice %arg3[%select_n3A, %run_scoped3A_34, %mul3A_32] : memref<2x3x1024xf32, #tpu.memory_space<hbm>> -> memref<1x1x64xf32, #tpu.memory_space<hbm>>
      %dma_wait3A_288 = tpu.memref_squeeze %dma_wait3A_287 : memref<1x1x64xf32, #tpu.memory_space<hbm>> -> memref<64xf32, #tpu.memory_space<hbm>>
      %dma_wait3A_289 = arith.constant 128 : i32
      %dma_wait3A_290 = tpu.memref_slice %arg7[%dma_wait3A_289] : memref<192xf32, #tpu.memory_space<vmem>> -> memref<64xf32, #tpu.memory_space<vmem>>
      %dma_wait3A_291 = tpu.memref_slice %arg3[%select_n3A, %run_scoped3A_34, %mul3A_32] : memref<2x3x1024xf32, #tpu.memory_space<hbm>> -> memref<1x1x64xf32, #tpu.memory_space<hbm>>
      %dma_wait3A_292 = tpu.memref_squeeze %dma_wait3A_291 : memref<1x1x64xf32, #tpu.memory_space<hbm>> -> memref<64xf32, #tpu.memory_space<hbm>>
      tpu.wait_dma2 semaphore(%run_scoped3A_276 : memref<!tpu.dma_semaphore, #tpu.memory_space<semaphore_mem>>) src(%dma_wait3A_292 : memref<64xf32, #tpu.memory_space<hbm>>) dst(%dma_wait3A_290 : memref<64xf32, #tpu.memory_space<vmem>>)
      tpu.yield
    }) : () -> ()
    %mul3A_35 = arith.constant 4096 : i32
    %mul3A_36 = arith.muli %select_n3A, %mul3A_35 : i32
    %mul3A_37 = arith.constant 2048 : i32
    %mul3A_38 = arith.muli %add3A, %mul3A_37 : i32
    %scan3A = arith.constant 0 : i32
    %scan3A_39 = arith.constant 0 : i32
    %scan3A_40 = arith.constant 8 : i32
    %scan3A_41 = arith.addi %scan3A_39, %scan3A_40 : i32
    %scan3A_42 = arith.constant 1 : i32
    scf.for %scan3A_276 = %scan3A_39 to %scan3A_41 step %scan3A_42  : i32 {
      %add3A_277 = arith.constant 0 : i32
      %add3A_278 = arith.addi %add3A_277, %scan3A_276 : i32
      %broadcast_in_dim3A = vector.broadcast %add3A_278 : i32 to vector<16xi32>
      %gather3A = tpu.vector_load_idx %arg7[%broadcast_in_dim3A] : memref<192xf32, #tpu.memory_space<vmem>>[vector<16xi32>], vector<16xf32>,
      %add3A_279 = arith.constant 64 : i32
      %add3A_280 = vector.broadcast %add3A_279 : i32 to vector<16xi32>
      %add3A_281 = arith.addi %broadcast_in_dim3A, %add3A_280 : vector<16xi32>
      %gather3A_282 = tpu.vector_load_idx %arg7[%add3A_281] : memref<192xf32, #tpu.memory_space<vmem>>[vector<16xi32>], vector<16xf32>,
      %add3A_283 = arith.constant 128 : i32
      %add3A_284 = vector.broadcast %add3A_283 : i32 to vector<16xi32>
      %add3A_285 = arith.addi %broadcast_in_dim3A, %add3A_284 : vector<16xi32>
      %gather3A_286 = tpu.vector_load_idx %arg7[%add3A_285] : memref<192xf32, #tpu.memory_space<vmem>>[vector<16xi32>], vector<16xf32>,
      %while3A = arith.constant 0 : i32
      %while3A_287 = arith.constant 0 : i32
      %while3A_288:2 = scf.while (%while3A_331 = %while3A, %while3A_332 = %while3A_287) : (i32, i32) -> (i32, i32) {
        %lt3A_333 = arith.constant 32 : i32
        %lt3A_334 = arith.cmpi slt, %while3A_332, %lt3A_333 : i32
        %lt3A_335 = arith.constant 256 : i32
        %lt3A_336 = arith.cmpi slt, %while3A_331, %lt3A_335 : i32
        %and3A_337 = arith.andi %lt3A_334, %lt3A_336 : i1
        scf.condition(%and3A_337) %while3A_331, %while3A_332 : i32, i32
      } do {
      ^bb0(%while3A_331: i32, %while3A_332: i32):
        %mul3A_333 = arith.constant 16 : i32
        %mul3A_334 = arith.muli %while3A_331, %mul3A_333 : i32
        %get3A_335 = arith.constant 0 : i32
        %get3A_336 = arith.index_cast %get3A_335 : i32 to index
        %get3A_337 = arith.index_cast %mul3A_334 : i32 to index
        %get3A_338 = tpu.vector_load %arg6[%get3A_336, %get3A_337] {strides = array<i32>} : memref<3x4096xf32, #tpu.memory_space<vmem>>, vector<16xf32>,
        %get3A_339 = arith.constant 1 : i32
        %get3A_340 = arith.index_cast %get3A_339 : i32 to index
        %get3A_341 = arith.index_cast %mul3A_334 : i32 to index
        %get3A_342 = tpu.vector_load %arg6[%get3A_340, %get3A_341] {strides = array<i32>} : memref<3x4096xf32, #tpu.memory_space<vmem>>, vector<16xf32>,
        %get3A_343 = arith.constant 2 : i32
        %get3A_344 = arith.index_cast %get3A_343 : i32 to index
        %get3A_345 = arith.index_cast %mul3A_334 : i32 to index
        %get3A_346 = tpu.vector_load %arg6[%get3A_344, %get3A_345] {strides = array<i32>} : memref<3x4096xf32, #tpu.memory_space<vmem>>, vector<16xf32>,
        %sub3A_347 = arith.subf %get3A_338, %gather3A : vector<16xf32>
        %sub3A_348 = arith.subf %get3A_342, %gather3A_282 : vector<16xf32>
        %sub3A_349 = arith.subf %get3A_346, %gather3A_286 : vector<16xf32>
        %mul3A_350 = arith.mulf %sub3A_347, %sub3A_347 : vector<16xf32>
        %mul3A_351 = arith.mulf %sub3A_348, %sub3A_348 : vector<16xf32>
        %add3A_352 = arith.addf %mul3A_350, %mul3A_351 : vector<16xf32>
        %mul3A_353 = arith.mulf %sub3A_349, %sub3A_349 : vector<16xf32>
        %add3A_354 = arith.addf %add3A_352, %mul3A_353 : vector<16xf32>
        %lt3A_355 = arith.constant 1.600000e-01 : f32
        %lt3A_356 = vector.broadcast %lt3A_355 : f32 to vector<16xf32>
        %lt3A_357 = arith.cmpf olt, %add3A_354, %lt3A_356 : vector<16xf32>
        %iota3A_358 = tpu.iota {dimensions = array<i32: 0>} : vector<16xi32>
        %add3A_359 = vector.broadcast %mul3A_334 : i32 to vector<16xi32>
        %add3A_360 = arith.addi %iota3A_358, %add3A_359 : vector<16xi32>
        %swap3A_361 = arith.index_cast %while3A_332 : i32 to index
        %swap3A_362 = tpu.vector_load %arg8[%swap3A_361] masked %lt3A_357 {strides = array<i32>} : memref<48xi32, #tpu.memory_space<vmem>>, vector<16xi32>, vector<16xi1>
        tpu.vector_store %arg8[%swap3A_361], %add3A_360 masked %lt3A_357 {strides = array<i32>} : memref<48xi32, #tpu.memory_space<vmem>>, vector<16xi32>, vector<16xi1>
        %all_reduce_population_count3A = tpu.all_reduce %lt3A_357 {dim = 0 : i64, kind = #tpu.reduction_kind<sum>} : vector<16xi1> -> vector<16xi32>
        %add3A_363 = arith.constant 1 : i32
        %add3A_364 = arith.addi %while3A_331, %add3A_363 : i32
        %reduce_max3A = arith.constant true
        %reduce_max3A_365 = vector.broadcast %reduce_max3A : i1 to vector<16xi1>
        %reduce_max3A_366 = arith.constant -2147483648 : i32
        %reduce_max3A_367 = vector.broadcast %reduce_max3A_366 : i32 to vector<16xi32>
        %reduce_max3A_368 = arith.xori %all_reduce_population_count3A, %reduce_max3A_367 : vector<16xi32>
        %reduce_max3A_369 = tpu.scan <max>, %reduce_max3A_368 masked %reduce_max3A_365 : vector<16xi32>, vector<16xi1> -> vector<16xi32>
        %reduce_max3A_370 = arith.xori %reduce_max3A_369, %reduce_max3A_367 : vector<16xi32>
        %reduce_max3A_371 = vector.extract %reduce_max3A_370[15] : i32 from vector<16xi32>
        %add3A_372 = arith.addi %while3A_332, %reduce_max3A_371 : i32
        scf.yield %add3A_364, %add3A_372 : i32, i32
      }
      %broadcast_in_dim3A_289 = vector.broadcast %while3A_288#1 : i32 to vector<16xi32>
      %broadcast_in_dim3A_290 = arith.constant 0 : i32
      %broadcast_in_dim3A_291 = vector.broadcast %broadcast_in_dim3A_290 : i32 to vector<16xi32>
      %gather3A_292 = tpu.vector_load_idx %arg8[%broadcast_in_dim3A_291] : memref<48xi32, #tpu.memory_space<vmem>>[vector<16xi32>], vector<16xi32>,
      %gt3A = arith.constant 0 : i32
      %gt3A_293 = vector.broadcast %gt3A : i32 to vector<16xi32>
      %gt3A_294 = arith.cmpi sgt, %broadcast_in_dim3A_289, %gt3A_293 : vector<16xi32>
      %broadcast_in_dim3A_295 = arith.constant 0 : i32
      %broadcast_in_dim3A_296 = vector.broadcast %broadcast_in_dim3A_295 : i32 to vector<16xi32>
      %select_n3A_297 = arith.select %gt3A_294, %gather3A_292, %broadcast_in_dim3A_296 : vector<16xi1>, vector<16xi32>
      %iota3A = tpu.iota {dimensions = array<i32: 0>} : vector<16xi32>
      %add3A_298 = arith.constant 0 : i32
      %add3A_299 = vector.broadcast %add3A_298 : i32 to vector<16xi32>
      %add3A_300 = arith.addi %iota3A, %add3A_299 : vector<16xi32>
      %get3A = arith.constant 0 : index
      %get3A_301 = tpu.vector_load %arg8[%get3A] {strides = array<i32>} : memref<48xi32, #tpu.memory_space<vmem>>, vector<16xi32>,
      %lt3A_302 = arith.cmpi slt, %add3A_300, %broadcast_in_dim3A_289 : vector<16xi32>
      %select_n3A_303 = arith.select %lt3A_302, %get3A_301, %select_n3A_297 : vector<16xi1>, vector<16xi32>
      %add3A_304 = vector.broadcast %mul3A_36 : i32 to vector<16xi32>
      %add3A_305 = arith.addi %select_n3A_303, %add3A_304 : vector<16xi32>
      %mul3A_306 = arith.constant 32 : i32
      %mul3A_307 = arith.muli %scan3A_276, %mul3A_306 : i32
      %add3A_308 = arith.constant 0 : i32
      %add3A_309 = arith.addi %mul3A_307, %add3A_308 : i32
      %swap3A = arith.constant 0 : i32
      %swap3A_310 = arith.index_cast %swap3A : i32 to index
      %swap3A_311 = arith.index_cast %add3A_309 : i32 to index
      %swap3A_312 = tpu.vector_load %arg9[%swap3A_310, %swap3A_311] {strides = array<i32>} : memref<8x256xi32, #tpu.memory_space<vmem>>, vector<16xi32>,
      tpu.vector_store %arg9[%swap3A_310, %swap3A_311], %add3A_305 {strides = array<i32>} : memref<8x256xi32, #tpu.memory_space<vmem>>, vector<16xi32>,
      %iota3A_313 = tpu.iota {dimensions = array<i32: 0>} : vector<16xi32>
      %add3A_314 = arith.constant 16 : i32
      %add3A_315 = vector.broadcast %add3A_314 : i32 to vector<16xi32>
      %add3A_316 = arith.addi %iota3A_313, %add3A_315 : vector<16xi32>
      %get3A_317 = arith.constant 16 : index
      %get3A_318 = tpu.vector_load %arg8[%get3A_317] {strides = array<i32>} : memref<48xi32, #tpu.memory_space<vmem>>, vector<16xi32>,
      %lt3A_319 = arith.cmpi slt, %add3A_316, %broadcast_in_dim3A_289 : vector<16xi32>
      %select_n3A_320 = arith.select %lt3A_319, %get3A_318, %select_n3A_297 : vector<16xi1>, vector<16xi32>
      %add3A_321 = vector.broadcast %mul3A_36 : i32 to vector<16xi32>
      %add3A_322 = arith.addi %select_n3A_320, %add3A_321 : vector<16xi32>
      %mul3A_323 = arith.constant 32 : i32
      %mul3A_324 = arith.muli %scan3A_276, %mul3A_323 : i32
      %add3A_325 = arith.constant 16 : i32
      %add3A_326 = arith.addi %mul3A_324, %add3A_325 : i32
      %swap3A_327 = arith.constant 0 : i32
      %swap3A_328 = arith.index_cast %swap3A_327 : i32 to index
      %swap3A_329 = arith.index_cast %add3A_326 : i32 to index
      %swap3A_330 = tpu.vector_load %arg9[%swap3A_328, %swap3A_329] {strides = array<i32>} : memref<8x256xi32, #tpu.memory_space<vmem>>, vector<16xi32>,
      tpu.vector_store %arg9[%swap3A_328, %swap3A_329], %add3A_322 {strides = array<i32>} : memref<8x256xi32, #tpu.memory_space<vmem>>, vector<16xi32>,
    }
    %scan3A_43 = arith.constant 8 : i32
    %dma_start3A = arith.constant 0 : i32
    %dma_start3A_44 = arith.constant 0 : i32
    %dma_start3A_45 = tpu.memref_slice %arg9[%dma_start3A, %dma_start3A_44] : memref<8x256xi32, #tpu.memory_space<vmem>> -> memref<1x256xi32, #tpu.memory_space<vmem>>
    %dma_start3A_46 = tpu.memref_squeeze %dma_start3A_45 : memref<1x256xi32, #tpu.memory_space<vmem>> -> memref<256xi32, #tpu.memory_space<vmem>>
    %dma_start3A_47 = arith.constant 0 : i32
    %dma_start3A_48 = arith.constant 0 : i32
    %dma_start3A_49 = tpu.memref_slice %arg4[%dma_start3A_47, %dma_start3A_48] : memref<8192x128xf32, #tpu.memory_space<hbm>> -> memref<8192x128xf32, #tpu.memory_space<hbm>>
    tpu.enqueue_indirect_dma source(%dma_start3A_49 : memref<8192x128xf32, #tpu.memory_space<hbm>>) target(%arg10 : memref<256x128xf32, #tpu.memory_space<vmem>>) offsets(%dma_start3A_46 : memref<256xi32, #tpu.memory_space<vmem>>) semaphore(%arg13 : memref<!tpu.dma_semaphore, #tpu.memory_space<semaphore_mem>>)
    %scan3A_50 = arith.constant 0 : i32
    %scan3A_51 = arith.constant 0 : i32
    %scan3A_52 = arith.constant 8 : i32
    %scan3A_53 = arith.addi %scan3A_51, %scan3A_52 : i32
    %scan3A_54 = arith.constant 1 : i32
    scf.for %scan3A_276 = %scan3A_51 to %scan3A_53 step %scan3A_54  : i32 {
      %add3A_277 = arith.constant 8 : i32
      %add3A_278 = arith.addi %add3A_277, %scan3A_276 : i32
      %broadcast_in_dim3A = vector.broadcast %add3A_278 : i32 to vector<16xi32>
      %gather3A = tpu.vector_load_idx %arg7[%broadcast_in_dim3A] : memref<192xf32, #tpu.memory_space<vmem>>[vector<16xi32>], vector<16xf32>,
      %add3A_279 = arith.constant 64 : i32
      %add3A_280 = vector.broadcast %add3A_279 : i32 to vector<16xi32>
      %add3A_281 = arith.addi %broadcast_in_dim3A, %add3A_280 : vector<16xi32>
      %gather3A_282 = tpu.vector_load_idx %arg7[%add3A_281] : memref<192xf32, #tpu.memory_space<vmem>>[vector<16xi32>], vector<16xf32>,
      %add3A_283 = arith.constant 128 : i32
      %add3A_284 = vector.broadcast %add3A_283 : i32 to vector<16xi32>
      %add3A_285 = arith.addi %broadcast_in_dim3A, %add3A_284 : vector<16xi32>
      %gather3A_286 = tpu.vector_load_idx %arg7[%add3A_285] : memref<192xf32, #tpu.memory_space<vmem>>[vector<16xi32>], vector<16xf32>,
      %while3A = arith.constant 0 : i32
      %while3A_287 = arith.constant 0 : i32
      %while3A_288:2 = scf.while (%while3A_331 = %while3A, %while3A_332 = %while3A_287) : (i32, i32) -> (i32, i32) {
        %lt3A_333 = arith.constant 32 : i32
        %lt3A_334 = arith.cmpi slt, %while3A_332, %lt3A_333 : i32
        %lt3A_335 = arith.constant 256 : i32
        %lt3A_336 = arith.cmpi slt, %while3A_331, %lt3A_335 : i32
        %and3A_337 = arith.andi %lt3A_334, %lt3A_336 : i1
        scf.condition(%and3A_337) %while3A_331, %while3A_332 : i32, i32
      } do {
      ^bb0(%while3A_331: i32, %while3A_332: i32):
        %mul3A_333 = arith.constant 16 : i32
        %mul3A_334 = arith.muli %while3A_331, %mul3A_333 : i32
        %get3A_335 = arith.constant 0 : i32
        %get3A_336 = arith.index_cast %get3A_335 : i32 to index
        %get3A_337 = arith.index_cast %mul3A_334 : i32 to index
        %get3A_338 = tpu.vector_load %arg6[%get3A_336, %get3A_337] {strides = array<i32>} : memref<3x4096xf32, #tpu.memory_space<vmem>>, vector<16xf32>,
        %get3A_339 = arith.constant 1 : i32
        %get3A_340 = arith.index_cast %get3A_339 : i32 to index
        %get3A_341 = arith.index_cast %mul3A_334 : i32 to index
        %get3A_342 = tpu.vector_load %arg6[%get3A_340, %get3A_341] {strides = array<i32>} : memref<3x4096xf32, #tpu.memory_space<vmem>>, vector<16xf32>,
        %get3A_343 = arith.constant 2 : i32
        %get3A_344 = arith.index_cast %get3A_343 : i32 to index
        %get3A_345 = arith.index_cast %mul3A_334 : i32 to index
        %get3A_346 = tpu.vector_load %arg6[%get3A_344, %get3A_345] {strides = array<i32>} : memref<3x4096xf32, #tpu.memory_space<vmem>>, vector<16xf32>,
        %sub3A_347 = arith.subf %get3A_338, %gather3A : vector<16xf32>
        %sub3A_348 = arith.subf %get3A_342, %gather3A_282 : vector<16xf32>
        %sub3A_349 = arith.subf %get3A_346, %gather3A_286 : vector<16xf32>
        %mul3A_350 = arith.mulf %sub3A_347, %sub3A_347 : vector<16xf32>
        %mul3A_351 = arith.mulf %sub3A_348, %sub3A_348 : vector<16xf32>
        %add3A_352 = arith.addf %mul3A_350, %mul3A_351 : vector<16xf32>
        %mul3A_353 = arith.mulf %sub3A_349, %sub3A_349 : vector<16xf32>
        %add3A_354 = arith.addf %add3A_352, %mul3A_353 : vector<16xf32>
        %lt3A_355 = arith.constant 1.600000e-01 : f32
        %lt3A_356 = vector.broadcast %lt3A_355 : f32 to vector<16xf32>
        %lt3A_357 = arith.cmpf olt, %add3A_354, %lt3A_356 : vector<16xf32>
        %iota3A_358 = tpu.iota {dimensions = array<i32: 0>} : vector<16xi32>
        %add3A_359 = vector.broadcast %mul3A_334 : i32 to vector<16xi32>
        %add3A_360 = arith.addi %iota3A_358, %add3A_359 : vector<16xi32>
        %swap3A_361 = arith.index_cast %while3A_332 : i32 to index
        %swap3A_362 = tpu.vector_load %arg8[%swap3A_361] masked %lt3A_357 {strides = array<i32>} : memref<48xi32, #tpu.memory_space<vmem>>, vector<16xi32>, vector<16xi1>
        tpu.vector_store %arg8[%swap3A_361], %add3A_360 masked %lt3A_357 {strides = array<i32>} : memref<48xi32, #tpu.memory_space<vmem>>, vector<16xi32>, vector<16xi1>
        %all_reduce_population_count3A = tpu.all_reduce %lt3A_357 {dim = 0 : i64, kind = #tpu.reduction_kind<sum>} : vector<16xi1> -> vector<16xi32>
        %add3A_363 = arith.constant 1 : i32
        %add3A_364 = arith.addi %while3A_331, %add3A_363 : i32
        %reduce_max3A = arith.constant true
        %reduce_max3A_365 = vector.broadcast %reduce_max3A : i1 to vector<16xi1>
        %reduce_max3A_366 = arith.constant -2147483648 : i32
        %reduce_max3A_367 = vector.broadcast %reduce_max3A_366 : i32 to vector<16xi32>
        %reduce_max3A_368 = arith.xori %all_reduce_population_count3A, %reduce_max3A_367 : vector<16xi32>
        %reduce_max3A_369 = tpu.scan <max>, %reduce_max3A_368 masked %reduce_max3A_365 : vector<16xi32>, vector<16xi1> -> vector<16xi32>
        %reduce_max3A_370 = arith.xori %reduce_max3A_369, %reduce_max3A_367 : vector<16xi32>
        %reduce_max3A_371 = vector.extract %reduce_max3A_370[15] : i32 from vector<16xi32>
        %add3A_372 = arith.addi %while3A_332, %reduce_max3A_371 : i32
        scf.yield %add3A_364, %add3A_372 : i32, i32
      }
      %broadcast_in_dim3A_289 = vector.broadcast %while3A_288#1 : i32 to vector<16xi32>
      %broadcast_in_dim3A_290 = arith.constant 0 : i32
      %broadcast_in_dim3A_291 = vector.broadcast %broadcast_in_dim3A_290 : i32 to vector<16xi32>
      %gather3A_292 = tpu.vector_load_idx %arg8[%broadcast_in_dim3A_291] : memref<48xi32, #tpu.memory_space<vmem>>[vector<16xi32>], vector<16xi32>,
      %gt3A = arith.constant 0 : i32
      %gt3A_293 = vector.broadcast %gt3A : i32 to vector<16xi32>
      %gt3A_294 = arith.cmpi sgt, %broadcast_in_dim3A_289, %gt3A_293 : vector<16xi32>
      %broadcast_in_dim3A_295 = arith.constant 0 : i32
      %broadcast_in_dim3A_296 = vector.broadcast %broadcast_in_dim3A_295 : i32 to vector<16xi32>
      %select_n3A_297 = arith.select %gt3A_294, %gather3A_292, %broadcast_in_dim3A_296 : vector<16xi1>, vector<16xi32>
      %iota3A = tpu.iota {dimensions = array<i32: 0>} : vector<16xi32>
      %add3A_298 = arith.constant 0 : i32
      %add3A_299 = vector.broadcast %add3A_298 : i32 to vector<16xi32>
      %add3A_300 = arith.addi %iota3A, %add3A_299 : vector<16xi32>
      %get3A = arith.constant 0 : index
      %get3A_301 = tpu.vector_load %arg8[%get3A] {strides = array<i32>} : memref<48xi32, #tpu.memory_space<vmem>>, vector<16xi32>,
      %lt3A_302 = arith.cmpi slt, %add3A_300, %broadcast_in_dim3A_289 : vector<16xi32>
      %select_n3A_303 = arith.select %lt3A_302, %get3A_301, %select_n3A_297 : vector<16xi1>, vector<16xi32>
      %add3A_304 = vector.broadcast %mul3A_36 : i32 to vector<16xi32>
      %add3A_305 = arith.addi %select_n3A_303, %add3A_304 : vector<16xi32>
      %mul3A_306 = arith.constant 32 : i32
      %mul3A_307 = arith.muli %scan3A_276, %mul3A_306 : i32
      %add3A_308 = arith.constant 0 : i32
      %add3A_309 = arith.addi %mul3A_307, %add3A_308 : i32
      %swap3A = arith.constant 1 : i32
      %swap3A_310 = arith.index_cast %swap3A : i32 to index
      %swap3A_311 = arith.index_cast %add3A_309 : i32 to index
      %swap3A_312 = tpu.vector_load %arg9[%swap3A_310, %swap3A_311] {strides = array<i32>} : memref<8x256xi32, #tpu.memory_space<vmem>>, vector<16xi32>,
      tpu.vector_store %arg9[%swap3A_310, %swap3A_311], %add3A_305 {strides = array<i32>} : memref<8x256xi32, #tpu.memory_space<vmem>>, vector<16xi32>,
      %iota3A_313 = tpu.iota {dimensions = array<i32: 0>} : vector<16xi32>
      %add3A_314 = arith.constant 16 : i32
      %add3A_315 = vector.broadcast %add3A_314 : i32 to vector<16xi32>
      %add3A_316 = arith.addi %iota3A_313, %add3A_315 : vector<16xi32>
      %get3A_317 = arith.constant 16 : index
      %get3A_318 = tpu.vector_load %arg8[%get3A_317] {strides = array<i32>} : memref<48xi32, #tpu.memory_space<vmem>>, vector<16xi32>,
      %lt3A_319 = arith.cmpi slt, %add3A_316, %broadcast_in_dim3A_289 : vector<16xi32>
      %select_n3A_320 = arith.select %lt3A_319, %get3A_318, %select_n3A_297 : vector<16xi1>, vector<16xi32>
      %add3A_321 = vector.broadcast %mul3A_36 : i32 to vector<16xi32>
      %add3A_322 = arith.addi %select_n3A_320, %add3A_321 : vector<16xi32>
      %mul3A_323 = arith.constant 32 : i32
      %mul3A_324 = arith.muli %scan3A_276, %mul3A_323 : i32
      %add3A_325 = arith.constant 16 : i32
      %add3A_326 = arith.addi %mul3A_324, %add3A_325 : i32
      %swap3A_327 = arith.constant 1 : i32
      %swap3A_328 = arith.index_cast %swap3A_327 : i32 to index
      %swap3A_329 = arith.index_cast %add3A_326 : i32 to index
      %swap3A_330 = tpu.vector_load %arg9[%swap3A_328, %swap3A_329] {strides = array<i32>} : memref<8x256xi32, #tpu.memory_space<vmem>>, vector<16xi32>,
      tpu.vector_store %arg9[%swap3A_328, %swap3A_329], %add3A_322 {strides = array<i32>} : memref<8x256xi32, #tpu.memory_space<vmem>>, vector<16xi32>,
    }
    %scan3A_55 = arith.constant 8 : i32
    %dma_start3A_56 = arith.constant 1 : i32
    %dma_start3A_57 = arith.constant 0 : i32
    %dma_start3A_58 = tpu.memref_slice %arg9[%dma_start3A_56, %dma_start3A_57] : memref<8x256xi32, #tpu.memory_space<vmem>> -> memref<1x256xi32, #tpu.memory_space<vmem>>
    %dma_start3A_59 = tpu.memref_squeeze %dma_start3A_58 : memref<1x256xi32, #tpu.memory_space<vmem>> -> memref<256xi32, #tpu.memory_space<vmem>>
    %dma_start3A_60 = arith.constant 0 : i32
    %dma_start3A_61 = arith.constant 0 : i32
    %dma_start3A_62 = tpu.memref_slice %arg4[%dma_start3A_60, %dma_start3A_61] : memref<8192x128xf32, #tpu.memory_space<hbm>> -> memref<8192x128xf32, #tpu.memory_space<hbm>>
    tpu.enqueue_indirect_dma source(%dma_start3A_62 : memref<8192x128xf32, #tpu.memory_space<hbm>>) target(%arg11 : memref<256x128xf32, #tpu.memory_space<vmem>>) offsets(%dma_start3A_59 : memref<256xi32, #tpu.memory_space<vmem>>) semaphore(%arg14 : memref<!tpu.dma_semaphore, #tpu.memory_space<semaphore_mem>>)
    %dma_wait3A = arith.constant 0 : i32
    %dma_wait3A_63 = arith.constant 0 : i32
    %dma_wait3A_64 = tpu.memref_slice %arg9[%dma_wait3A, %dma_wait3A_63] : memref<8x256xi32, #tpu.memory_space<vmem>> -> memref<1x256xi32, #tpu.memory_space<vmem>>
    %dma_wait3A_65 = tpu.memref_squeeze %dma_wait3A_64 : memref<1x256xi32, #tpu.memory_space<vmem>> -> memref<256xi32, #tpu.memory_space<vmem>>
    %dma_wait3A_66 = arith.constant 0 : i32
    %dma_wait3A_67 = arith.constant 0 : i32
    %dma_wait3A_68 = tpu.memref_slice %arg4[%dma_wait3A_66, %dma_wait3A_67] : memref<8192x128xf32, #tpu.memory_space<hbm>> -> memref<8192x128xf32, #tpu.memory_space<hbm>>
    tpu.wait_indirect_dma semaphore(%arg13 : memref<!tpu.dma_semaphore, #tpu.memory_space<semaphore_mem>>) src(%dma_wait3A_68 : memref<8192x128xf32, #tpu.memory_space<hbm>>) dst(%arg10 : memref<256x128xf32, #tpu.memory_space<vmem>>)
    %add3A_69 = arith.constant 0 : i32
    %add3A_70 = arith.addi %mul3A_38, %add3A_69 : i32
    %dma_start3A_71 = arith.constant 0 : i32
    %dma_start3A_72 = tpu.memref_slice %arg5[%add3A_70, %dma_start3A_71] : memref<65536x128xf32, #tpu.memory_space<hbm>> -> memref<256x128xf32, #tpu.memory_space<hbm>>
    %dma_start3A_73 = arith.constant 0 : i32
    %dma_start3A_74 = tpu.memref_slice %arg5[%add3A_70, %dma_start3A_73] : memref<65536x128xf32, #tpu.memory_space<hbm>> -> memref<256x128xf32, #tpu.memory_space<hbm>>
    tpu.enqueue_dma source(%arg10 : memref<256x128xf32, #tpu.memory_space<vmem>>) target(%dma_start3A_74 : memref<256x128xf32, #tpu.memory_space<hbm>>) target_semaphore(%arg16 : memref<!tpu.dma_semaphore, #tpu.memory_space<semaphore_mem>>)
    %scan3A_75 = arith.constant 0 : i32
    %scan3A_76 = arith.constant 0 : i32
    %scan3A_77 = arith.constant 8 : i32
    %scan3A_78 = arith.addi %scan3A_76, %scan3A_77 : i32
    %scan3A_79 = arith.constant 1 : i32
    scf.for %scan3A_276 = %scan3A_76 to %scan3A_78 step %scan3A_79  : i32 {
      %add3A_277 = arith.constant 16 : i32
      %add3A_278 = arith.addi %add3A_277, %scan3A_276 : i32
      %broadcast_in_dim3A = vector.broadcast %add3A_278 : i32 to vector<16xi32>
      %gather3A = tpu.vector_load_idx %arg7[%broadcast_in_dim3A] : memref<192xf32, #tpu.memory_space<vmem>>[vector<16xi32>], vector<16xf32>,
      %add3A_279 = arith.constant 64 : i32
      %add3A_280 = vector.broadcast %add3A_279 : i32 to vector<16xi32>
      %add3A_281 = arith.addi %broadcast_in_dim3A, %add3A_280 : vector<16xi32>
      %gather3A_282 = tpu.vector_load_idx %arg7[%add3A_281] : memref<192xf32, #tpu.memory_space<vmem>>[vector<16xi32>], vector<16xf32>,
      %add3A_283 = arith.constant 128 : i32
      %add3A_284 = vector.broadcast %add3A_283 : i32 to vector<16xi32>
      %add3A_285 = arith.addi %broadcast_in_dim3A, %add3A_284 : vector<16xi32>
      %gather3A_286 = tpu.vector_load_idx %arg7[%add3A_285] : memref<192xf32, #tpu.memory_space<vmem>>[vector<16xi32>], vector<16xf32>,
      %while3A = arith.constant 0 : i32
      %while3A_287 = arith.constant 0 : i32
      %while3A_288:2 = scf.while (%while3A_331 = %while3A, %while3A_332 = %while3A_287) : (i32, i32) -> (i32, i32) {
        %lt3A_333 = arith.constant 32 : i32
        %lt3A_334 = arith.cmpi slt, %while3A_332, %lt3A_333 : i32
        %lt3A_335 = arith.constant 256 : i32
        %lt3A_336 = arith.cmpi slt, %while3A_331, %lt3A_335 : i32
        %and3A_337 = arith.andi %lt3A_334, %lt3A_336 : i1
        scf.condition(%and3A_337) %while3A_331, %while3A_332 : i32, i32
      } do {
      ^bb0(%while3A_331: i32, %while3A_332: i32):
        %mul3A_333 = arith.constant 16 : i32
        %mul3A_334 = arith.muli %while3A_331, %mul3A_333 : i32
        %get3A_335 = arith.constant 0 : i32
        %get3A_336 = arith.index_cast %get3A_335 : i32 to index
        %get3A_337 = arith.index_cast %mul3A_334 : i32 to index
        %get3A_338 = tpu.vector_load %arg6[%get3A_336, %get3A_337] {strides = array<i32>} : memref<3x4096xf32, #tpu.memory_space<vmem>>, vector<16xf32>,
        %get3A_339 = arith.constant 1 : i32
        %get3A_340 = arith.index_cast %get3A_339 : i32 to index
        %get3A_341 = arith.index_cast %mul3A_334 : i32 to index
        %get3A_342 = tpu.vector_load %arg6[%get3A_340, %get3A_341] {strides = array<i32>} : memref<3x4096xf32, #tpu.memory_space<vmem>>, vector<16xf32>,
        %get3A_343 = arith.constant 2 : i32
        %get3A_344 = arith.index_cast %get3A_343 : i32 to index
        %get3A_345 = arith.index_cast %mul3A_334 : i32 to index
        %get3A_346 = tpu.vector_load %arg6[%get3A_344, %get3A_345] {strides = array<i32>} : memref<3x4096xf32, #tpu.memory_space<vmem>>, vector<16xf32>,
        %sub3A_347 = arith.subf %get3A_338, %gather3A : vector<16xf32>
        %sub3A_348 = arith.subf %get3A_342, %gather3A_282 : vector<16xf32>
        %sub3A_349 = arith.subf %get3A_346, %gather3A_286 : vector<16xf32>
        %mul3A_350 = arith.mulf %sub3A_347, %sub3A_347 : vector<16xf32>
        %mul3A_351 = arith.mulf %sub3A_348, %sub3A_348 : vector<16xf32>
        %add3A_352 = arith.addf %mul3A_350, %mul3A_351 : vector<16xf32>
        %mul3A_353 = arith.mulf %sub3A_349, %sub3A_349 : vector<16xf32>
        %add3A_354 = arith.addf %add3A_352, %mul3A_353 : vector<16xf32>
        %lt3A_355 = arith.constant 1.600000e-01 : f32
        %lt3A_356 = vector.broadcast %lt3A_355 : f32 to vector<16xf32>
        %lt3A_357 = arith.cmpf olt, %add3A_354, %lt3A_356 : vector<16xf32>
        %iota3A_358 = tpu.iota {dimensions = array<i32: 0>} : vector<16xi32>
        %add3A_359 = vector.broadcast %mul3A_334 : i32 to vector<16xi32>
        %add3A_360 = arith.addi %iota3A_358, %add3A_359 : vector<16xi32>
        %swap3A_361 = arith.index_cast %while3A_332 : i32 to index
        %swap3A_362 = tpu.vector_load %arg8[%swap3A_361] masked %lt3A_357 {strides = array<i32>} : memref<48xi32, #tpu.memory_space<vmem>>, vector<16xi32>, vector<16xi1>
        tpu.vector_store %arg8[%swap3A_361], %add3A_360 masked %lt3A_357 {strides = array<i32>} : memref<48xi32, #tpu.memory_space<vmem>>, vector<16xi32>, vector<16xi1>
        %all_reduce_population_count3A = tpu.all_reduce %lt3A_357 {dim = 0 : i64, kind = #tpu.reduction_kind<sum>} : vector<16xi1> -> vector<16xi32>
        %add3A_363 = arith.constant 1 : i32
        %add3A_364 = arith.addi %while3A_331, %add3A_363 : i32
        %reduce_max3A = arith.constant true
        %reduce_max3A_365 = vector.broadcast %reduce_max3A : i1 to vector<16xi1>
        %reduce_max3A_366 = arith.constant -2147483648 : i32
        %reduce_max3A_367 = vector.broadcast %reduce_max3A_366 : i32 to vector<16xi32>
        %reduce_max3A_368 = arith.xori %all_reduce_population_count3A, %reduce_max3A_367 : vector<16xi32>
        %reduce_max3A_369 = tpu.scan <max>, %reduce_max3A_368 masked %reduce_max3A_365 : vector<16xi32>, vector<16xi1> -> vector<16xi32>
        %reduce_max3A_370 = arith.xori %reduce_max3A_369, %reduce_max3A_367 : vector<16xi32>
        %reduce_max3A_371 = vector.extract %reduce_max3A_370[15] : i32 from vector<16xi32>
        %add3A_372 = arith.addi %while3A_332, %reduce_max3A_371 : i32
        scf.yield %add3A_364, %add3A_372 : i32, i32
      }
      %broadcast_in_dim3A_289 = vector.broadcast %while3A_288#1 : i32 to vector<16xi32>
      %broadcast_in_dim3A_290 = arith.constant 0 : i32
      %broadcast_in_dim3A_291 = vector.broadcast %broadcast_in_dim3A_290 : i32 to vector<16xi32>
      %gather3A_292 = tpu.vector_load_idx %arg8[%broadcast_in_dim3A_291] : memref<48xi32, #tpu.memory_space<vmem>>[vector<16xi32>], vector<16xi32>,
      %gt3A = arith.constant 0 : i32
      %gt3A_293 = vector.broadcast %gt3A : i32 to vector<16xi32>
      %gt3A_294 = arith.cmpi sgt, %broadcast_in_dim3A_289, %gt3A_293 : vector<16xi32>
      %broadcast_in_dim3A_295 = arith.constant 0 : i32
      %broadcast_in_dim3A_296 = vector.broadcast %broadcast_in_dim3A_295 : i32 to vector<16xi32>
      %select_n3A_297 = arith.select %gt3A_294, %gather3A_292, %broadcast_in_dim3A_296 : vector<16xi1>, vector<16xi32>
      %iota3A = tpu.iota {dimensions = array<i32: 0>} : vector<16xi32>
      %add3A_298 = arith.constant 0 : i32
      %add3A_299 = vector.broadcast %add3A_298 : i32 to vector<16xi32>
      %add3A_300 = arith.addi %iota3A, %add3A_299 : vector<16xi32>
      %get3A = arith.constant 0 : index
      %get3A_301 = tpu.vector_load %arg8[%get3A] {strides = array<i32>} : memref<48xi32, #tpu.memory_space<vmem>>, vector<16xi32>,
      %lt3A_302 = arith.cmpi slt, %add3A_300, %broadcast_in_dim3A_289 : vector<16xi32>
      %select_n3A_303 = arith.select %lt3A_302, %get3A_301, %select_n3A_297 : vector<16xi1>, vector<16xi32>
      %add3A_304 = vector.broadcast %mul3A_36 : i32 to vector<16xi32>
      %add3A_305 = arith.addi %select_n3A_303, %add3A_304 : vector<16xi32>
      %mul3A_306 = arith.constant 32 : i32
      %mul3A_307 = arith.muli %scan3A_276, %mul3A_306 : i32
      %add3A_308 = arith.constant 0 : i32
      %add3A_309 = arith.addi %mul3A_307, %add3A_308 : i32
      %swap3A = arith.constant 2 : i32
      %swap3A_310 = arith.index_cast %swap3A : i32 to index
      %swap3A_311 = arith.index_cast %add3A_309 : i32 to index
      %swap3A_312 = tpu.vector_load %arg9[%swap3A_310, %swap3A_311] {strides = array<i32>} : memref<8x256xi32, #tpu.memory_space<vmem>>, vector<16xi32>,
      tpu.vector_store %arg9[%swap3A_310, %swap3A_311], %add3A_305 {strides = array<i32>} : memref<8x256xi32, #tpu.memory_space<vmem>>, vector<16xi32>,
      %iota3A_313 = tpu.iota {dimensions = array<i32: 0>} : vector<16xi32>
      %add3A_314 = arith.constant 16 : i32
      %add3A_315 = vector.broadcast %add3A_314 : i32 to vector<16xi32>
      %add3A_316 = arith.addi %iota3A_313, %add3A_315 : vector<16xi32>
      %get3A_317 = arith.constant 16 : index
      %get3A_318 = tpu.vector_load %arg8[%get3A_317] {strides = array<i32>} : memref<48xi32, #tpu.memory_space<vmem>>, vector<16xi32>,
      %lt3A_319 = arith.cmpi slt, %add3A_316, %broadcast_in_dim3A_289 : vector<16xi32>
      %select_n3A_320 = arith.select %lt3A_319, %get3A_318, %select_n3A_297 : vector<16xi1>, vector<16xi32>
      %add3A_321 = vector.broadcast %mul3A_36 : i32 to vector<16xi32>
      %add3A_322 = arith.addi %select_n3A_320, %add3A_321 : vector<16xi32>
      %mul3A_323 = arith.constant 32 : i32
      %mul3A_324 = arith.muli %scan3A_276, %mul3A_323 : i32
      %add3A_325 = arith.constant 16 : i32
      %add3A_326 = arith.addi %mul3A_324, %add3A_325 : i32
      %swap3A_327 = arith.constant 2 : i32
      %swap3A_328 = arith.index_cast %swap3A_327 : i32 to index
      %swap3A_329 = arith.index_cast %add3A_326 : i32 to index
      %swap3A_330 = tpu.vector_load %arg9[%swap3A_328, %swap3A_329] {strides = array<i32>} : memref<8x256xi32, #tpu.memory_space<vmem>>, vector<16xi32>,
      tpu.vector_store %arg9[%swap3A_328, %swap3A_329], %add3A_322 {strides = array<i32>} : memref<8x256xi32, #tpu.memory_space<vmem>>, vector<16xi32>,
    }
    %scan3A_80 = arith.constant 8 : i32
    %dma_start3A_81 = arith.constant 2 : i32
    %dma_start3A_82 = arith.constant 0 : i32
    %dma_start3A_83 = tpu.memref_slice %arg9[%dma_start3A_81, %dma_start3A_82] : memref<8x256xi32, #tpu.memory_space<vmem>> -> memref<1x256xi32, #tpu.memory_space<vmem>>
    %dma_start3A_84 = tpu.memref_squeeze %dma_start3A_83 : memref<1x256xi32, #tpu.memory_space<vmem>> -> memref<256xi32, #tpu.memory_space<vmem>>
    %dma_start3A_85 = arith.constant 0 : i32
    %dma_start3A_86 = arith.constant 0 : i32
    %dma_start3A_87 = tpu.memref_slice %arg4[%dma_start3A_85, %dma_start3A_86] : memref<8192x128xf32, #tpu.memory_space<hbm>> -> memref<8192x128xf32, #tpu.memory_space<hbm>>
    tpu.enqueue_indirect_dma source(%dma_start3A_87 : memref<8192x128xf32, #tpu.memory_space<hbm>>) target(%arg12 : memref<256x128xf32, #tpu.memory_space<vmem>>) offsets(%dma_start3A_84 : memref<256xi32, #tpu.memory_space<vmem>>) semaphore(%arg15 : memref<!tpu.dma_semaphore, #tpu.memory_space<semaphore_mem>>)
    %dma_wait3A_88 = arith.constant 1 : i32
    %dma_wait3A_89 = arith.constant 0 : i32
    %dma_wait3A_90 = tpu.memref_slice %arg9[%dma_wait3A_88, %dma_wait3A_89] : memref<8x256xi32, #tpu.memory_space<vmem>> -> memref<1x256xi32, #tpu.memory_space<vmem>>
    %dma_wait3A_91 = tpu.memref_squeeze %dma_wait3A_90 : memref<1x256xi32, #tpu.memory_space<vmem>> -> memref<256xi32, #tpu.memory_space<vmem>>
    %dma_wait3A_92 = arith.constant 0 : i32
    %dma_wait3A_93 = arith.constant 0 : i32
    %dma_wait3A_94 = tpu.memref_slice %arg4[%dma_wait3A_92, %dma_wait3A_93] : memref<8192x128xf32, #tpu.memory_space<hbm>> -> memref<8192x128xf32, #tpu.memory_space<hbm>>
    tpu.wait_indirect_dma semaphore(%arg14 : memref<!tpu.dma_semaphore, #tpu.memory_space<semaphore_mem>>) src(%dma_wait3A_94 : memref<8192x128xf32, #tpu.memory_space<hbm>>) dst(%arg11 : memref<256x128xf32, #tpu.memory_space<vmem>>)
    %add3A_95 = arith.constant 256 : i32
    %add3A_96 = arith.addi %mul3A_38, %add3A_95 : i32
    %dma_start3A_97 = arith.constant 0 : i32
    %dma_start3A_98 = tpu.memref_slice %arg5[%add3A_96, %dma_start3A_97] : memref<65536x128xf32, #tpu.memory_space<hbm>> -> memref<256x128xf32, #tpu.memory_space<hbm>>
    %dma_start3A_99 = arith.constant 0 : i32
    %dma_start3A_100 = tpu.memref_slice %arg5[%add3A_96, %dma_start3A_99] : memref<65536x128xf32, #tpu.memory_space<hbm>> -> memref<256x128xf32, #tpu.memory_space<hbm>>
    tpu.enqueue_dma source(%arg11 : memref<256x128xf32, #tpu.memory_space<vmem>>) target(%dma_start3A_100 : memref<256x128xf32, #tpu.memory_space<hbm>>) target_semaphore(%arg17 : memref<!tpu.dma_semaphore, #tpu.memory_space<semaphore_mem>>)
    %scan3A_101 = arith.constant 0 : i32
    %scan3A_102 = arith.constant 0 : i32
    %scan3A_103 = arith.constant 8 : i32
    %scan3A_104 = arith.addi %scan3A_102, %scan3A_103 : i32
    %scan3A_105 = arith.constant 1 : i32
    scf.for %scan3A_276 = %scan3A_102 to %scan3A_104 step %scan3A_105  : i32 {
      %add3A_277 = arith.constant 24 : i32
      %add3A_278 = arith.addi %add3A_277, %scan3A_276 : i32
      %broadcast_in_dim3A = vector.broadcast %add3A_278 : i32 to vector<16xi32>
      %gather3A = tpu.vector_load_idx %arg7[%broadcast_in_dim3A] : memref<192xf32, #tpu.memory_space<vmem>>[vector<16xi32>], vector<16xf32>,
      %add3A_279 = arith.constant 64 : i32
      %add3A_280 = vector.broadcast %add3A_279 : i32 to vector<16xi32>
      %add3A_281 = arith.addi %broadcast_in_dim3A, %add3A_280 : vector<16xi32>
      %gather3A_282 = tpu.vector_load_idx %arg7[%add3A_281] : memref<192xf32, #tpu.memory_space<vmem>>[vector<16xi32>], vector<16xf32>,
      %add3A_283 = arith.constant 128 : i32
      %add3A_284 = vector.broadcast %add3A_283 : i32 to vector<16xi32>
      %add3A_285 = arith.addi %broadcast_in_dim3A, %add3A_284 : vector<16xi32>
      %gather3A_286 = tpu.vector_load_idx %arg7[%add3A_285] : memref<192xf32, #tpu.memory_space<vmem>>[vector<16xi32>], vector<16xf32>,
      %while3A = arith.constant 0 : i32
      %while3A_287 = arith.constant 0 : i32
      %while3A_288:2 = scf.while (%while3A_331 = %while3A, %while3A_332 = %while3A_287) : (i32, i32) -> (i32, i32) {
        %lt3A_333 = arith.constant 32 : i32
        %lt3A_334 = arith.cmpi slt, %while3A_332, %lt3A_333 : i32
        %lt3A_335 = arith.constant 256 : i32
        %lt3A_336 = arith.cmpi slt, %while3A_331, %lt3A_335 : i32
        %and3A_337 = arith.andi %lt3A_334, %lt3A_336 : i1
        scf.condition(%and3A_337) %while3A_331, %while3A_332 : i32, i32
      } do {
      ^bb0(%while3A_331: i32, %while3A_332: i32):
        %mul3A_333 = arith.constant 16 : i32
        %mul3A_334 = arith.muli %while3A_331, %mul3A_333 : i32
        %get3A_335 = arith.constant 0 : i32
        %get3A_336 = arith.index_cast %get3A_335 : i32 to index
        %get3A_337 = arith.index_cast %mul3A_334 : i32 to index
        %get3A_338 = tpu.vector_load %arg6[%get3A_336, %get3A_337] {strides = array<i32>} : memref<3x4096xf32, #tpu.memory_space<vmem>>, vector<16xf32>,
        %get3A_339 = arith.constant 1 : i32
        %get3A_340 = arith.index_cast %get3A_339 : i32 to index
        %get3A_341 = arith.index_cast %mul3A_334 : i32 to index
        %get3A_342 = tpu.vector_load %arg6[%get3A_340, %get3A_341] {strides = array<i32>} : memref<3x4096xf32, #tpu.memory_space<vmem>>, vector<16xf32>,
        %get3A_343 = arith.constant 2 : i32
        %get3A_344 = arith.index_cast %get3A_343 : i32 to index
        %get3A_345 = arith.index_cast %mul3A_334 : i32 to index
        %get3A_346 = tpu.vector_load %arg6[%get3A_344, %get3A_345] {strides = array<i32>} : memref<3x4096xf32, #tpu.memory_space<vmem>>, vector<16xf32>,
        %sub3A_347 = arith.subf %get3A_338, %gather3A : vector<16xf32>
        %sub3A_348 = arith.subf %get3A_342, %gather3A_282 : vector<16xf32>
        %sub3A_349 = arith.subf %get3A_346, %gather3A_286 : vector<16xf32>
        %mul3A_350 = arith.mulf %sub3A_347, %sub3A_347 : vector<16xf32>
        %mul3A_351 = arith.mulf %sub3A_348, %sub3A_348 : vector<16xf32>
        %add3A_352 = arith.addf %mul3A_350, %mul3A_351 : vector<16xf32>
        %mul3A_353 = arith.mulf %sub3A_349, %sub3A_349 : vector<16xf32>
        %add3A_354 = arith.addf %add3A_352, %mul3A_353 : vector<16xf32>
        %lt3A_355 = arith.constant 1.600000e-01 : f32
        %lt3A_356 = vector.broadcast %lt3A_355 : f32 to vector<16xf32>
        %lt3A_357 = arith.cmpf olt, %add3A_354, %lt3A_356 : vector<16xf32>
        %iota3A_358 = tpu.iota {dimensions = array<i32: 0>} : vector<16xi32>
        %add3A_359 = vector.broadcast %mul3A_334 : i32 to vector<16xi32>
        %add3A_360 = arith.addi %iota3A_358, %add3A_359 : vector<16xi32>
        %swap3A_361 = arith.index_cast %while3A_332 : i32 to index
        %swap3A_362 = tpu.vector_load %arg8[%swap3A_361] masked %lt3A_357 {strides = array<i32>} : memref<48xi32, #tpu.memory_space<vmem>>, vector<16xi32>, vector<16xi1>
        tpu.vector_store %arg8[%swap3A_361], %add3A_360 masked %lt3A_357 {strides = array<i32>} : memref<48xi32, #tpu.memory_space<vmem>>, vector<16xi32>, vector<16xi1>
        %all_reduce_population_count3A = tpu.all_reduce %lt3A_357 {dim = 0 : i64, kind = #tpu.reduction_kind<sum>} : vector<16xi1> -> vector<16xi32>
        %add3A_363 = arith.constant 1 : i32
        %add3A_364 = arith.addi %while3A_331, %add3A_363 : i32
        %reduce_max3A = arith.constant true
        %reduce_max3A_365 = vector.broadcast %reduce_max3A : i1 to vector<16xi1>
        %reduce_max3A_366 = arith.constant -2147483648 : i32
        %reduce_max3A_367 = vector.broadcast %reduce_max3A_366 : i32 to vector<16xi32>
        %reduce_max3A_368 = arith.xori %all_reduce_population_count3A, %reduce_max3A_367 : vector<16xi32>
        %reduce_max3A_369 = tpu.scan <max>, %reduce_max3A_368 masked %reduce_max3A_365 : vector<16xi32>, vector<16xi1> -> vector<16xi32>
        %reduce_max3A_370 = arith.xori %reduce_max3A_369, %reduce_max3A_367 : vector<16xi32>
        %reduce_max3A_371 = vector.extract %reduce_max3A_370[15] : i32 from vector<16xi32>
        %add3A_372 = arith.addi %while3A_332, %reduce_max3A_371 : i32
        scf.yield %add3A_364, %add3A_372 : i32, i32
      }
      %broadcast_in_dim3A_289 = vector.broadcast %while3A_288#1 : i32 to vector<16xi32>
      %broadcast_in_dim3A_290 = arith.constant 0 : i32
      %broadcast_in_dim3A_291 = vector.broadcast %broadcast_in_dim3A_290 : i32 to vector<16xi32>
      %gather3A_292 = tpu.vector_load_idx %arg8[%broadcast_in_dim3A_291] : memref<48xi32, #tpu.memory_space<vmem>>[vector<16xi32>], vector<16xi32>,
      %gt3A = arith.constant 0 : i32
      %gt3A_293 = vector.broadcast %gt3A : i32 to vector<16xi32>
      %gt3A_294 = arith.cmpi sgt, %broadcast_in_dim3A_289, %gt3A_293 : vector<16xi32>
      %broadcast_in_dim3A_295 = arith.constant 0 : i32
      %broadcast_in_dim3A_296 = vector.broadcast %broadcast_in_dim3A_295 : i32 to vector<16xi32>
      %select_n3A_297 = arith.select %gt3A_294, %gather3A_292, %broadcast_in_dim3A_296 : vector<16xi1>, vector<16xi32>
      %iota3A = tpu.iota {dimensions = array<i32: 0>} : vector<16xi32>
      %add3A_298 = arith.constant 0 : i32
      %add3A_299 = vector.broadcast %add3A_298 : i32 to vector<16xi32>
      %add3A_300 = arith.addi %iota3A, %add3A_299 : vector<16xi32>
      %get3A = arith.constant 0 : index
      %get3A_301 = tpu.vector_load %arg8[%get3A] {strides = array<i32>} : memref<48xi32, #tpu.memory_space<vmem>>, vector<16xi32>,
      %lt3A_302 = arith.cmpi slt, %add3A_300, %broadcast_in_dim3A_289 : vector<16xi32>
      %select_n3A_303 = arith.select %lt3A_302, %get3A_301, %select_n3A_297 : vector<16xi1>, vector<16xi32>
      %add3A_304 = vector.broadcast %mul3A_36 : i32 to vector<16xi32>
      %add3A_305 = arith.addi %select_n3A_303, %add3A_304 : vector<16xi32>
      %mul3A_306 = arith.constant 32 : i32
      %mul3A_307 = arith.muli %scan3A_276, %mul3A_306 : i32
      %add3A_308 = arith.constant 0 : i32
      %add3A_309 = arith.addi %mul3A_307, %add3A_308 : i32
      %swap3A = arith.constant 3 : i32
      %swap3A_310 = arith.index_cast %swap3A : i32 to index
      %swap3A_311 = arith.index_cast %add3A_309 : i32 to index
      %swap3A_312 = tpu.vector_load %arg9[%swap3A_310, %swap3A_311] {strides = array<i32>} : memref<8x256xi32, #tpu.memory_space<vmem>>, vector<16xi32>,
      tpu.vector_store %arg9[%swap3A_310, %swap3A_311], %add3A_305 {strides = array<i32>} : memref<8x256xi32, #tpu.memory_space<vmem>>, vector<16xi32>,
      %iota3A_313 = tpu.iota {dimensions = array<i32: 0>} : vector<16xi32>
      %add3A_314 = arith.constant 16 : i32
      %add3A_315 = vector.broadcast %add3A_314 : i32 to vector<16xi32>
      %add3A_316 = arith.addi %iota3A_313, %add3A_315 : vector<16xi32>
      %get3A_317 = arith.constant 16 : index
      %get3A_318 = tpu.vector_load %arg8[%get3A_317] {strides = array<i32>} : memref<48xi32, #tpu.memory_space<vmem>>, vector<16xi32>,
      %lt3A_319 = arith.cmpi slt, %add3A_316, %broadcast_in_dim3A_289 : vector<16xi32>
      %select_n3A_320 = arith.select %lt3A_319, %get3A_318, %select_n3A_297 : vector<16xi1>, vector<16xi32>
      %add3A_321 = vector.broadcast %mul3A_36 : i32 to vector<16xi32>
      %add3A_322 = arith.addi %select_n3A_320, %add3A_321 : vector<16xi32>
      %mul3A_323 = arith.constant 32 : i32
      %mul3A_324 = arith.muli %scan3A_276, %mul3A_323 : i32
      %add3A_325 = arith.constant 16 : i32
      %add3A_326 = arith.addi %mul3A_324, %add3A_325 : i32
      %swap3A_327 = arith.constant 3 : i32
      %swap3A_328 = arith.index_cast %swap3A_327 : i32 to index
      %swap3A_329 = arith.index_cast %add3A_326 : i32 to index
      %swap3A_330 = tpu.vector_load %arg9[%swap3A_328, %swap3A_329] {strides = array<i32>} : memref<8x256xi32, #tpu.memory_space<vmem>>, vector<16xi32>,
      tpu.vector_store %arg9[%swap3A_328, %swap3A_329], %add3A_322 {strides = array<i32>} : memref<8x256xi32, #tpu.memory_space<vmem>>, vector<16xi32>,
    }
    %scan3A_106 = arith.constant 8 : i32
    %dma_wait3A_107 = arith.constant 0 : i32
    %dma_wait3A_108 = tpu.memref_slice %arg5[%add3A_70, %dma_wait3A_107] : memref<65536x128xf32, #tpu.memory_space<hbm>> -> memref<256x128xf32, #tpu.memory_space<hbm>>
    %dma_wait3A_109 = arith.constant 0 : i32
    %dma_wait3A_110 = tpu.memref_slice %arg5[%add3A_70, %dma_wait3A_109] : memref<65536x128xf32, #tpu.memory_space<hbm>> -> memref<256x128xf32, #tpu.memory_space<hbm>>
    tpu.wait_dma2 semaphore(%arg16 : memref<!tpu.dma_semaphore, #tpu.memory_space<semaphore_mem>>) src(%arg10 : memref<256x128xf32, #tpu.memory_space<vmem>>) dst(%dma_wait3A_110 : memref<256x128xf32, #tpu.memory_space<hbm>>)
    %dma_start3A_111 = arith.constant 3 : i32
    %dma_start3A_112 = arith.constant 0 : i32
    %dma_start3A_113 = tpu.memref_slice %arg9[%dma_start3A_111, %dma_start3A_112] : memref<8x256xi32, #tpu.memory_space<vmem>> -> memref<1x256xi32, #tpu.memory_space<vmem>>
    %dma_start3A_114 = tpu.memref_squeeze %dma_start3A_113 : memref<1x256xi32, #tpu.memory_space<vmem>> -> memref<256xi32, #tpu.memory_space<vmem>>
    %dma_start3A_115 = arith.constant 0 : i32
    %dma_start3A_116 = arith.constant 0 : i32
    %dma_start3A_117 = tpu.memref_slice %arg4[%dma_start3A_115, %dma_start3A_116] : memref<8192x128xf32, #tpu.memory_space<hbm>> -> memref<8192x128xf32, #tpu.memory_space<hbm>>
    tpu.enqueue_indirect_dma source(%dma_start3A_117 : memref<8192x128xf32, #tpu.memory_space<hbm>>) target(%arg10 : memref<256x128xf32, #tpu.memory_space<vmem>>) offsets(%dma_start3A_114 : memref<256xi32, #tpu.memory_space<vmem>>) semaphore(%arg13 : memref<!tpu.dma_semaphore, #tpu.memory_space<semaphore_mem>>)
    %dma_wait3A_118 = arith.constant 2 : i32
    %dma_wait3A_119 = arith.constant 0 : i32
    %dma_wait3A_120 = tpu.memref_slice %arg9[%dma_wait3A_118, %dma_wait3A_119] : memref<8x256xi32, #tpu.memory_space<vmem>> -> memref<1x256xi32, #tpu.memory_space<vmem>>
    %dma_wait3A_121 = tpu.memref_squeeze %dma_wait3A_120 : memref<1x256xi32, #tpu.memory_space<vmem>> -> memref<256xi32, #tpu.memory_space<vmem>>
    %dma_wait3A_122 = arith.constant 0 : i32
    %dma_wait3A_123 = arith.constant 0 : i32
    %dma_wait3A_124 = tpu.memref_slice %arg4[%dma_wait3A_122, %dma_wait3A_123] : memref<8192x128xf32, #tpu.memory_space<hbm>> -> memref<8192x128xf32, #tpu.memory_space<hbm>>
    tpu.wait_indirect_dma semaphore(%arg15 : memref<!tpu.dma_semaphore, #tpu.memory_space<semaphore_mem>>) src(%dma_wait3A_124 : memref<8192x128xf32, #tpu.memory_space<hbm>>) dst(%arg12 : memref<256x128xf32, #tpu.memory_space<vmem>>)
    %add3A_125 = arith.constant 512 : i32
    %add3A_126 = arith.addi %mul3A_38, %add3A_125 : i32
    %dma_start3A_127 = arith.constant 0 : i32
    %dma_start3A_128 = tpu.memref_slice %arg5[%add3A_126, %dma_start3A_127] : memref<65536x128xf32, #tpu.memory_space<hbm>> -> memref<256x128xf32, #tpu.memory_space<hbm>>
    %dma_start3A_129 = arith.constant 0 : i32
    %dma_start3A_130 = tpu.memref_slice %arg5[%add3A_126, %dma_start3A_129] : memref<65536x128xf32, #tpu.memory_space<hbm>> -> memref<256x128xf32, #tpu.memory_space<hbm>>
    tpu.enqueue_dma source(%arg12 : memref<256x128xf32, #tpu.memory_space<vmem>>) target(%dma_start3A_130 : memref<256x128xf32, #tpu.memory_space<hbm>>) target_semaphore(%arg18 : memref<!tpu.dma_semaphore, #tpu.memory_space<semaphore_mem>>)
    %scan3A_131 = arith.constant 0 : i32
    %scan3A_132 = arith.constant 0 : i32
    %scan3A_133 = arith.constant 8 : i32
    %scan3A_134 = arith.addi %scan3A_132, %scan3A_133 : i32
    %scan3A_135 = arith.constant 1 : i32
    scf.for %scan3A_276 = %scan3A_132 to %scan3A_134 step %scan3A_135  : i32 {
      %add3A_277 = arith.constant 32 : i32
      %add3A_278 = arith.addi %add3A_277, %scan3A_276 : i32
      %broadcast_in_dim3A = vector.broadcast %add3A_278 : i32 to vector<16xi32>
      %gather3A = tpu.vector_load_idx %arg7[%broadcast_in_dim3A] : memref<192xf32, #tpu.memory_space<vmem>>[vector<16xi32>], vector<16xf32>,
      %add3A_279 = arith.constant 64 : i32
      %add3A_280 = vector.broadcast %add3A_279 : i32 to vector<16xi32>
      %add3A_281 = arith.addi %broadcast_in_dim3A, %add3A_280 : vector<16xi32>
      %gather3A_282 = tpu.vector_load_idx %arg7[%add3A_281] : memref<192xf32, #tpu.memory_space<vmem>>[vector<16xi32>], vector<16xf32>,
      %add3A_283 = arith.constant 128 : i32
      %add3A_284 = vector.broadcast %add3A_283 : i32 to vector<16xi32>
      %add3A_285 = arith.addi %broadcast_in_dim3A, %add3A_284 : vector<16xi32>
      %gather3A_286 = tpu.vector_load_idx %arg7[%add3A_285] : memref<192xf32, #tpu.memory_space<vmem>>[vector<16xi32>], vector<16xf32>,
      %while3A = arith.constant 0 : i32
      %while3A_287 = arith.constant 0 : i32
      %while3A_288:2 = scf.while (%while3A_331 = %while3A, %while3A_332 = %while3A_287) : (i32, i32) -> (i32, i32) {
        %lt3A_333 = arith.constant 32 : i32
        %lt3A_334 = arith.cmpi slt, %while3A_332, %lt3A_333 : i32
        %lt3A_335 = arith.constant 256 : i32
        %lt3A_336 = arith.cmpi slt, %while3A_331, %lt3A_335 : i32
        %and3A_337 = arith.andi %lt3A_334, %lt3A_336 : i1
        scf.condition(%and3A_337) %while3A_331, %while3A_332 : i32, i32
      } do {
      ^bb0(%while3A_331: i32, %while3A_332: i32):
        %mul3A_333 = arith.constant 16 : i32
        %mul3A_334 = arith.muli %while3A_331, %mul3A_333 : i32
        %get3A_335 = arith.constant 0 : i32
        %get3A_336 = arith.index_cast %get3A_335 : i32 to index
        %get3A_337 = arith.index_cast %mul3A_334 : i32 to index
        %get3A_338 = tpu.vector_load %arg6[%get3A_336, %get3A_337] {strides = array<i32>} : memref<3x4096xf32, #tpu.memory_space<vmem>>, vector<16xf32>,
        %get3A_339 = arith.constant 1 : i32
        %get3A_340 = arith.index_cast %get3A_339 : i32 to index
        %get3A_341 = arith.index_cast %mul3A_334 : i32 to index
        %get3A_342 = tpu.vector_load %arg6[%get3A_340, %get3A_341] {strides = array<i32>} : memref<3x4096xf32, #tpu.memory_space<vmem>>, vector<16xf32>,
        %get3A_343 = arith.constant 2 : i32
        %get3A_344 = arith.index_cast %get3A_343 : i32 to index
        %get3A_345 = arith.index_cast %mul3A_334 : i32 to index
        %get3A_346 = tpu.vector_load %arg6[%get3A_344, %get3A_345] {strides = array<i32>} : memref<3x4096xf32, #tpu.memory_space<vmem>>, vector<16xf32>,
        %sub3A_347 = arith.subf %get3A_338, %gather3A : vector<16xf32>
        %sub3A_348 = arith.subf %get3A_342, %gather3A_282 : vector<16xf32>
        %sub3A_349 = arith.subf %get3A_346, %gather3A_286 : vector<16xf32>
        %mul3A_350 = arith.mulf %sub3A_347, %sub3A_347 : vector<16xf32>
        %mul3A_351 = arith.mulf %sub3A_348, %sub3A_348 : vector<16xf32>
        %add3A_352 = arith.addf %mul3A_350, %mul3A_351 : vector<16xf32>
        %mul3A_353 = arith.mulf %sub3A_349, %sub3A_349 : vector<16xf32>
        %add3A_354 = arith.addf %add3A_352, %mul3A_353 : vector<16xf32>
        %lt3A_355 = arith.constant 1.600000e-01 : f32
        %lt3A_356 = vector.broadcast %lt3A_355 : f32 to vector<16xf32>
        %lt3A_357 = arith.cmpf olt, %add3A_354, %lt3A_356 : vector<16xf32>
        %iota3A_358 = tpu.iota {dimensions = array<i32: 0>} : vector<16xi32>
        %add3A_359 = vector.broadcast %mul3A_334 : i32 to vector<16xi32>
        %add3A_360 = arith.addi %iota3A_358, %add3A_359 : vector<16xi32>
        %swap3A_361 = arith.index_cast %while3A_332 : i32 to index
        %swap3A_362 = tpu.vector_load %arg8[%swap3A_361] masked %lt3A_357 {strides = array<i32>} : memref<48xi32, #tpu.memory_space<vmem>>, vector<16xi32>, vector<16xi1>
        tpu.vector_store %arg8[%swap3A_361], %add3A_360 masked %lt3A_357 {strides = array<i32>} : memref<48xi32, #tpu.memory_space<vmem>>, vector<16xi32>, vector<16xi1>
        %all_reduce_population_count3A = tpu.all_reduce %lt3A_357 {dim = 0 : i64, kind = #tpu.reduction_kind<sum>} : vector<16xi1> -> vector<16xi32>
        %add3A_363 = arith.constant 1 : i32
        %add3A_364 = arith.addi %while3A_331, %add3A_363 : i32
        %reduce_max3A = arith.constant true
        %reduce_max3A_365 = vector.broadcast %reduce_max3A : i1 to vector<16xi1>
        %reduce_max3A_366 = arith.constant -2147483648 : i32
        %reduce_max3A_367 = vector.broadcast %reduce_max3A_366 : i32 to vector<16xi32>
        %reduce_max3A_368 = arith.xori %all_reduce_population_count3A, %reduce_max3A_367 : vector<16xi32>
        %reduce_max3A_369 = tpu.scan <max>, %reduce_max3A_368 masked %reduce_max3A_365 : vector<16xi32>, vector<16xi1> -> vector<16xi32>
        %reduce_max3A_370 = arith.xori %reduce_max3A_369, %reduce_max3A_367 : vector<16xi32>
        %reduce_max3A_371 = vector.extract %reduce_max3A_370[15] : i32 from vector<16xi32>
        %add3A_372 = arith.addi %while3A_332, %reduce_max3A_371 : i32
        scf.yield %add3A_364, %add3A_372 : i32, i32
      }
      %broadcast_in_dim3A_289 = vector.broadcast %while3A_288#1 : i32 to vector<16xi32>
      %broadcast_in_dim3A_290 = arith.constant 0 : i32
      %broadcast_in_dim3A_291 = vector.broadcast %broadcast_in_dim3A_290 : i32 to vector<16xi32>
      %gather3A_292 = tpu.vector_load_idx %arg8[%broadcast_in_dim3A_291] : memref<48xi32, #tpu.memory_space<vmem>>[vector<16xi32>], vector<16xi32>,
      %gt3A = arith.constant 0 : i32
      %gt3A_293 = vector.broadcast %gt3A : i32 to vector<16xi32>
      %gt3A_294 = arith.cmpi sgt, %broadcast_in_dim3A_289, %gt3A_293 : vector<16xi32>
      %broadcast_in_dim3A_295 = arith.constant 0 : i32
      %broadcast_in_dim3A_296 = vector.broadcast %broadcast_in_dim3A_295 : i32 to vector<16xi32>
      %select_n3A_297 = arith.select %gt3A_294, %gather3A_292, %broadcast_in_dim3A_296 : vector<16xi1>, vector<16xi32>
      %iota3A = tpu.iota {dimensions = array<i32: 0>} : vector<16xi32>
      %add3A_298 = arith.constant 0 : i32
      %add3A_299 = vector.broadcast %add3A_298 : i32 to vector<16xi32>
      %add3A_300 = arith.addi %iota3A, %add3A_299 : vector<16xi32>
      %get3A = arith.constant 0 : index
      %get3A_301 = tpu.vector_load %arg8[%get3A] {strides = array<i32>} : memref<48xi32, #tpu.memory_space<vmem>>, vector<16xi32>,
      %lt3A_302 = arith.cmpi slt, %add3A_300, %broadcast_in_dim3A_289 : vector<16xi32>
      %select_n3A_303 = arith.select %lt3A_302, %get3A_301, %select_n3A_297 : vector<16xi1>, vector<16xi32>
      %add3A_304 = vector.broadcast %mul3A_36 : i32 to vector<16xi32>
      %add3A_305 = arith.addi %select_n3A_303, %add3A_304 : vector<16xi32>
      %mul3A_306 = arith.constant 32 : i32
      %mul3A_307 = arith.muli %scan3A_276, %mul3A_306 : i32
      %add3A_308 = arith.constant 0 : i32
      %add3A_309 = arith.addi %mul3A_307, %add3A_308 : i32
      %swap3A = arith.constant 4 : i32
      %swap3A_310 = arith.index_cast %swap3A : i32 to index
      %swap3A_311 = arith.index_cast %add3A_309 : i32 to index
      %swap3A_312 = tpu.vector_load %arg9[%swap3A_310, %swap3A_311] {strides = array<i32>} : memref<8x256xi32, #tpu.memory_space<vmem>>, vector<16xi32>,
      tpu.vector_store %arg9[%swap3A_310, %swap3A_311], %add3A_305 {strides = array<i32>} : memref<8x256xi32, #tpu.memory_space<vmem>>, vector<16xi32>,
      %iota3A_313 = tpu.iota {dimensions = array<i32: 0>} : vector<16xi32>
      %add3A_314 = arith.constant 16 : i32
      %add3A_315 = vector.broadcast %add3A_314 : i32 to vector<16xi32>
      %add3A_316 = arith.addi %iota3A_313, %add3A_315 : vector<16xi32>
      %get3A_317 = arith.constant 16 : index
      %get3A_318 = tpu.vector_load %arg8[%get3A_317] {strides = array<i32>} : memref<48xi32, #tpu.memory_space<vmem>>, vector<16xi32>,
      %lt3A_319 = arith.cmpi slt, %add3A_316, %broadcast_in_dim3A_289 : vector<16xi32>
      %select_n3A_320 = arith.select %lt3A_319, %get3A_318, %select_n3A_297 : vector<16xi1>, vector<16xi32>
      %add3A_321 = vector.broadcast %mul3A_36 : i32 to vector<16xi32>
      %add3A_322 = arith.addi %select_n3A_320, %add3A_321 : vector<16xi32>
      %mul3A_323 = arith.constant 32 : i32
      %mul3A_324 = arith.muli %scan3A_276, %mul3A_323 : i32
      %add3A_325 = arith.constant 16 : i32
      %add3A_326 = arith.addi %mul3A_324, %add3A_325 : i32
      %swap3A_327 = arith.constant 4 : i32
      %swap3A_328 = arith.index_cast %swap3A_327 : i32 to index
      %swap3A_329 = arith.index_cast %add3A_326 : i32 to index
      %swap3A_330 = tpu.vector_load %arg9[%swap3A_328, %swap3A_329] {strides = array<i32>} : memref<8x256xi32, #tpu.memory_space<vmem>>, vector<16xi32>,
      tpu.vector_store %arg9[%swap3A_328, %swap3A_329], %add3A_322 {strides = array<i32>} : memref<8x256xi32, #tpu.memory_space<vmem>>, vector<16xi32>,
    }
    %scan3A_136 = arith.constant 8 : i32
    %dma_wait3A_137 = arith.constant 0 : i32
    %dma_wait3A_138 = tpu.memref_slice %arg5[%add3A_96, %dma_wait3A_137] : memref<65536x128xf32, #tpu.memory_space<hbm>> -> memref<256x128xf32, #tpu.memory_space<hbm>>
    %dma_wait3A_139 = arith.constant 0 : i32
    %dma_wait3A_140 = tpu.memref_slice %arg5[%add3A_96, %dma_wait3A_139] : memref<65536x128xf32, #tpu.memory_space<hbm>> -> memref<256x128xf32, #tpu.memory_space<hbm>>
    tpu.wait_dma2 semaphore(%arg17 : memref<!tpu.dma_semaphore, #tpu.memory_space<semaphore_mem>>) src(%arg11 : memref<256x128xf32, #tpu.memory_space<vmem>>) dst(%dma_wait3A_140 : memref<256x128xf32, #tpu.memory_space<hbm>>)
    %dma_start3A_141 = arith.constant 4 : i32
    %dma_start3A_142 = arith.constant 0 : i32
    %dma_start3A_143 = tpu.memref_slice %arg9[%dma_start3A_141, %dma_start3A_142] : memref<8x256xi32, #tpu.memory_space<vmem>> -> memref<1x256xi32, #tpu.memory_space<vmem>>
    %dma_start3A_144 = tpu.memref_squeeze %dma_start3A_143 : memref<1x256xi32, #tpu.memory_space<vmem>> -> memref<256xi32, #tpu.memory_space<vmem>>
    %dma_start3A_145 = arith.constant 0 : i32
    %dma_start3A_146 = arith.constant 0 : i32
    %dma_start3A_147 = tpu.memref_slice %arg4[%dma_start3A_145, %dma_start3A_146] : memref<8192x128xf32, #tpu.memory_space<hbm>> -> memref<8192x128xf32, #tpu.memory_space<hbm>>
    tpu.enqueue_indirect_dma source(%dma_start3A_147 : memref<8192x128xf32, #tpu.memory_space<hbm>>) target(%arg11 : memref<256x128xf32, #tpu.memory_space<vmem>>) offsets(%dma_start3A_144 : memref<256xi32, #tpu.memory_space<vmem>>) semaphore(%arg14 : memref<!tpu.dma_semaphore, #tpu.memory_space<semaphore_mem>>)
    %dma_wait3A_148 = arith.constant 3 : i32
    %dma_wait3A_149 = arith.constant 0 : i32
    %dma_wait3A_150 = tpu.memref_slice %arg9[%dma_wait3A_148, %dma_wait3A_149] : memref<8x256xi32, #tpu.memory_space<vmem>> -> memref<1x256xi32, #tpu.memory_space<vmem>>
    %dma_wait3A_151 = tpu.memref_squeeze %dma_wait3A_150 : memref<1x256xi32, #tpu.memory_space<vmem>> -> memref<256xi32, #tpu.memory_space<vmem>>
    %dma_wait3A_152 = arith.constant 0 : i32
    %dma_wait3A_153 = arith.constant 0 : i32
    %dma_wait3A_154 = tpu.memref_slice %arg4[%dma_wait3A_152, %dma_wait3A_153] : memref<8192x128xf32, #tpu.memory_space<hbm>> -> memref<8192x128xf32, #tpu.memory_space<hbm>>
    tpu.wait_indirect_dma semaphore(%arg13 : memref<!tpu.dma_semaphore, #tpu.memory_space<semaphore_mem>>) src(%dma_wait3A_154 : memref<8192x128xf32, #tpu.memory_space<hbm>>) dst(%arg10 : memref<256x128xf32, #tpu.memory_space<vmem>>)
    %add3A_155 = arith.constant 768 : i32
    %add3A_156 = arith.addi %mul3A_38, %add3A_155 : i32
    %dma_start3A_157 = arith.constant 0 : i32
    %dma_start3A_158 = tpu.memref_slice %arg5[%add3A_156, %dma_start3A_157] : memref<65536x128xf32, #tpu.memory_space<hbm>> -> memref<256x128xf32, #tpu.memory_space<hbm>>
    %dma_start3A_159 = arith.constant 0 : i32
    %dma_start3A_160 = tpu.memref_slice %arg5[%add3A_156, %dma_start3A_159] : memref<65536x128xf32, #tpu.memory_space<hbm>> -> memref<256x128xf32, #tpu.memory_space<hbm>>
    tpu.enqueue_dma source(%arg10 : memref<256x128xf32, #tpu.memory_space<vmem>>) target(%dma_start3A_160 : memref<256x128xf32, #tpu.memory_space<hbm>>) target_semaphore(%arg16 : memref<!tpu.dma_semaphore, #tpu.memory_space<semaphore_mem>>)
    %scan3A_161 = arith.constant 0 : i32
    %scan3A_162 = arith.constant 0 : i32
    %scan3A_163 = arith.constant 8 : i32
    %scan3A_164 = arith.addi %scan3A_162, %scan3A_163 : i32
    %scan3A_165 = arith.constant 1 : i32
    scf.for %scan3A_276 = %scan3A_162 to %scan3A_164 step %scan3A_165  : i32 {
      %add3A_277 = arith.constant 40 : i32
      %add3A_278 = arith.addi %add3A_277, %scan3A_276 : i32
      %broadcast_in_dim3A = vector.broadcast %add3A_278 : i32 to vector<16xi32>
      %gather3A = tpu.vector_load_idx %arg7[%broadcast_in_dim3A] : memref<192xf32, #tpu.memory_space<vmem>>[vector<16xi32>], vector<16xf32>,
      %add3A_279 = arith.constant 64 : i32
      %add3A_280 = vector.broadcast %add3A_279 : i32 to vector<16xi32>
      %add3A_281 = arith.addi %broadcast_in_dim3A, %add3A_280 : vector<16xi32>
      %gather3A_282 = tpu.vector_load_idx %arg7[%add3A_281] : memref<192xf32, #tpu.memory_space<vmem>>[vector<16xi32>], vector<16xf32>,
      %add3A_283 = arith.constant 128 : i32
      %add3A_284 = vector.broadcast %add3A_283 : i32 to vector<16xi32>
      %add3A_285 = arith.addi %broadcast_in_dim3A, %add3A_284 : vector<16xi32>
      %gather3A_286 = tpu.vector_load_idx %arg7[%add3A_285] : memref<192xf32, #tpu.memory_space<vmem>>[vector<16xi32>], vector<16xf32>,
      %while3A = arith.constant 0 : i32
      %while3A_287 = arith.constant 0 : i32
      %while3A_288:2 = scf.while (%while3A_331 = %while3A, %while3A_332 = %while3A_287) : (i32, i32) -> (i32, i32) {
        %lt3A_333 = arith.constant 32 : i32
        %lt3A_334 = arith.cmpi slt, %while3A_332, %lt3A_333 : i32
        %lt3A_335 = arith.constant 256 : i32
        %lt3A_336 = arith.cmpi slt, %while3A_331, %lt3A_335 : i32
        %and3A_337 = arith.andi %lt3A_334, %lt3A_336 : i1
        scf.condition(%and3A_337) %while3A_331, %while3A_332 : i32, i32
      } do {
      ^bb0(%while3A_331: i32, %while3A_332: i32):
        %mul3A_333 = arith.constant 16 : i32
        %mul3A_334 = arith.muli %while3A_331, %mul3A_333 : i32
        %get3A_335 = arith.constant 0 : i32
        %get3A_336 = arith.index_cast %get3A_335 : i32 to index
        %get3A_337 = arith.index_cast %mul3A_334 : i32 to index
        %get3A_338 = tpu.vector_load %arg6[%get3A_336, %get3A_337] {strides = array<i32>} : memref<3x4096xf32, #tpu.memory_space<vmem>>, vector<16xf32>,
        %get3A_339 = arith.constant 1 : i32
        %get3A_340 = arith.index_cast %get3A_339 : i32 to index
        %get3A_341 = arith.index_cast %mul3A_334 : i32 to index
        %get3A_342 = tpu.vector_load %arg6[%get3A_340, %get3A_341] {strides = array<i32>} : memref<3x4096xf32, #tpu.memory_space<vmem>>, vector<16xf32>,
        %get3A_343 = arith.constant 2 : i32
        %get3A_344 = arith.index_cast %get3A_343 : i32 to index
        %get3A_345 = arith.index_cast %mul3A_334 : i32 to index
        %get3A_346 = tpu.vector_load %arg6[%get3A_344, %get3A_345] {strides = array<i32>} : memref<3x4096xf32, #tpu.memory_space<vmem>>, vector<16xf32>,
        %sub3A_347 = arith.subf %get3A_338, %gather3A : vector<16xf32>
        %sub3A_348 = arith.subf %get3A_342, %gather3A_282 : vector<16xf32>
        %sub3A_349 = arith.subf %get3A_346, %gather3A_286 : vector<16xf32>
        %mul3A_350 = arith.mulf %sub3A_347, %sub3A_347 : vector<16xf32>
        %mul3A_351 = arith.mulf %sub3A_348, %sub3A_348 : vector<16xf32>
        %add3A_352 = arith.addf %mul3A_350, %mul3A_351 : vector<16xf32>
        %mul3A_353 = arith.mulf %sub3A_349, %sub3A_349 : vector<16xf32>
        %add3A_354 = arith.addf %add3A_352, %mul3A_353 : vector<16xf32>
        %lt3A_355 = arith.constant 1.600000e-01 : f32
        %lt3A_356 = vector.broadcast %lt3A_355 : f32 to vector<16xf32>
        %lt3A_357 = arith.cmpf olt, %add3A_354, %lt3A_356 : vector<16xf32>
        %iota3A_358 = tpu.iota {dimensions = array<i32: 0>} : vector<16xi32>
        %add3A_359 = vector.broadcast %mul3A_334 : i32 to vector<16xi32>
        %add3A_360 = arith.addi %iota3A_358, %add3A_359 : vector<16xi32>
        %swap3A_361 = arith.index_cast %while3A_332 : i32 to index
        %swap3A_362 = tpu.vector_load %arg8[%swap3A_361] masked %lt3A_357 {strides = array<i32>} : memref<48xi32, #tpu.memory_space<vmem>>, vector<16xi32>, vector<16xi1>
        tpu.vector_store %arg8[%swap3A_361], %add3A_360 masked %lt3A_357 {strides = array<i32>} : memref<48xi32, #tpu.memory_space<vmem>>, vector<16xi32>, vector<16xi1>
        %all_reduce_population_count3A = tpu.all_reduce %lt3A_357 {dim = 0 : i64, kind = #tpu.reduction_kind<sum>} : vector<16xi1> -> vector<16xi32>
        %add3A_363 = arith.constant 1 : i32
        %add3A_364 = arith.addi %while3A_331, %add3A_363 : i32
        %reduce_max3A = arith.constant true
        %reduce_max3A_365 = vector.broadcast %reduce_max3A : i1 to vector<16xi1>
        %reduce_max3A_366 = arith.constant -2147483648 : i32
        %reduce_max3A_367 = vector.broadcast %reduce_max3A_366 : i32 to vector<16xi32>
        %reduce_max3A_368 = arith.xori %all_reduce_population_count3A, %reduce_max3A_367 : vector<16xi32>
        %reduce_max3A_369 = tpu.scan <max>, %reduce_max3A_368 masked %reduce_max3A_365 : vector<16xi32>, vector<16xi1> -> vector<16xi32>
        %reduce_max3A_370 = arith.xori %reduce_max3A_369, %reduce_max3A_367 : vector<16xi32>
        %reduce_max3A_371 = vector.extract %reduce_max3A_370[15] : i32 from vector<16xi32>
        %add3A_372 = arith.addi %while3A_332, %reduce_max3A_371 : i32
        scf.yield %add3A_364, %add3A_372 : i32, i32
      }
      %broadcast_in_dim3A_289 = vector.broadcast %while3A_288#1 : i32 to vector<16xi32>
      %broadcast_in_dim3A_290 = arith.constant 0 : i32
      %broadcast_in_dim3A_291 = vector.broadcast %broadcast_in_dim3A_290 : i32 to vector<16xi32>
      %gather3A_292 = tpu.vector_load_idx %arg8[%broadcast_in_dim3A_291] : memref<48xi32, #tpu.memory_space<vmem>>[vector<16xi32>], vector<16xi32>,
      %gt3A = arith.constant 0 : i32
      %gt3A_293 = vector.broadcast %gt3A : i32 to vector<16xi32>
      %gt3A_294 = arith.cmpi sgt, %broadcast_in_dim3A_289, %gt3A_293 : vector<16xi32>
      %broadcast_in_dim3A_295 = arith.constant 0 : i32
      %broadcast_in_dim3A_296 = vector.broadcast %broadcast_in_dim3A_295 : i32 to vector<16xi32>
      %select_n3A_297 = arith.select %gt3A_294, %gather3A_292, %broadcast_in_dim3A_296 : vector<16xi1>, vector<16xi32>
      %iota3A = tpu.iota {dimensions = array<i32: 0>} : vector<16xi32>
      %add3A_298 = arith.constant 0 : i32
      %add3A_299 = vector.broadcast %add3A_298 : i32 to vector<16xi32>
      %add3A_300 = arith.addi %iota3A, %add3A_299 : vector<16xi32>
      %get3A = arith.constant 0 : index
      %get3A_301 = tpu.vector_load %arg8[%get3A] {strides = array<i32>} : memref<48xi32, #tpu.memory_space<vmem>>, vector<16xi32>,
      %lt3A_302 = arith.cmpi slt, %add3A_300, %broadcast_in_dim3A_289 : vector<16xi32>
      %select_n3A_303 = arith.select %lt3A_302, %get3A_301, %select_n3A_297 : vector<16xi1>, vector<16xi32>
      %add3A_304 = vector.broadcast %mul3A_36 : i32 to vector<16xi32>
      %add3A_305 = arith.addi %select_n3A_303, %add3A_304 : vector<16xi32>
      %mul3A_306 = arith.constant 32 : i32
      %mul3A_307 = arith.muli %scan3A_276, %mul3A_306 : i32
      %add3A_308 = arith.constant 0 : i32
      %add3A_309 = arith.addi %mul3A_307, %add3A_308 : i32
      %swap3A = arith.constant 5 : i32
      %swap3A_310 = arith.index_cast %swap3A : i32 to index
      %swap3A_311 = arith.index_cast %add3A_309 : i32 to index
      %swap3A_312 = tpu.vector_load %arg9[%swap3A_310, %swap3A_311] {strides = array<i32>} : memref<8x256xi32, #tpu.memory_space<vmem>>, vector<16xi32>,
      tpu.vector_store %arg9[%swap3A_310, %swap3A_311], %add3A_305 {strides = array<i32>} : memref<8x256xi32, #tpu.memory_space<vmem>>, vector<16xi32>,
      %iota3A_313 = tpu.iota {dimensions = array<i32: 0>} : vector<16xi32>
      %add3A_314 = arith.constant 16 : i32
      %add3A_315 = vector.broadcast %add3A_314 : i32 to vector<16xi32>
      %add3A_316 = arith.addi %iota3A_313, %add3A_315 : vector<16xi32>
      %get3A_317 = arith.constant 16 : index
      %get3A_318 = tpu.vector_load %arg8[%get3A_317] {strides = array<i32>} : memref<48xi32, #tpu.memory_space<vmem>>, vector<16xi32>,
      %lt3A_319 = arith.cmpi slt, %add3A_316, %broadcast_in_dim3A_289 : vector<16xi32>
      %select_n3A_320 = arith.select %lt3A_319, %get3A_318, %select_n3A_297 : vector<16xi1>, vector<16xi32>
      %add3A_321 = vector.broadcast %mul3A_36 : i32 to vector<16xi32>
      %add3A_322 = arith.addi %select_n3A_320, %add3A_321 : vector<16xi32>
      %mul3A_323 = arith.constant 32 : i32
      %mul3A_324 = arith.muli %scan3A_276, %mul3A_323 : i32
      %add3A_325 = arith.constant 16 : i32
      %add3A_326 = arith.addi %mul3A_324, %add3A_325 : i32
      %swap3A_327 = arith.constant 5 : i32
      %swap3A_328 = arith.index_cast %swap3A_327 : i32 to index
      %swap3A_329 = arith.index_cast %add3A_326 : i32 to index
      %swap3A_330 = tpu.vector_load %arg9[%swap3A_328, %swap3A_329] {strides = array<i32>} : memref<8x256xi32, #tpu.memory_space<vmem>>, vector<16xi32>,
      tpu.vector_store %arg9[%swap3A_328, %swap3A_329], %add3A_322 {strides = array<i32>} : memref<8x256xi32, #tpu.memory_space<vmem>>, vector<16xi32>,
    }
    %scan3A_166 = arith.constant 8 : i32
    %dma_wait3A_167 = arith.constant 0 : i32
    %dma_wait3A_168 = tpu.memref_slice %arg5[%add3A_126, %dma_wait3A_167] : memref<65536x128xf32, #tpu.memory_space<hbm>> -> memref<256x128xf32, #tpu.memory_space<hbm>>
    %dma_wait3A_169 = arith.constant 0 : i32
    %dma_wait3A_170 = tpu.memref_slice %arg5[%add3A_126, %dma_wait3A_169] : memref<65536x128xf32, #tpu.memory_space<hbm>> -> memref<256x128xf32, #tpu.memory_space<hbm>>
    tpu.wait_dma2 semaphore(%arg18 : memref<!tpu.dma_semaphore, #tpu.memory_space<semaphore_mem>>) src(%arg12 : memref<256x128xf32, #tpu.memory_space<vmem>>) dst(%dma_wait3A_170 : memref<256x128xf32, #tpu.memory_space<hbm>>)
    %dma_start3A_171 = arith.constant 5 : i32
    %dma_start3A_172 = arith.constant 0 : i32
    %dma_start3A_173 = tpu.memref_slice %arg9[%dma_start3A_171, %dma_start3A_172] : memref<8x256xi32, #tpu.memory_space<vmem>> -> memref<1x256xi32, #tpu.memory_space<vmem>>
    %dma_start3A_174 = tpu.memref_squeeze %dma_start3A_173 : memref<1x256xi32, #tpu.memory_space<vmem>> -> memref<256xi32, #tpu.memory_space<vmem>>
    %dma_start3A_175 = arith.constant 0 : i32
    %dma_start3A_176 = arith.constant 0 : i32
    %dma_start3A_177 = tpu.memref_slice %arg4[%dma_start3A_175, %dma_start3A_176] : memref<8192x128xf32, #tpu.memory_space<hbm>> -> memref<8192x128xf32, #tpu.memory_space<hbm>>
    tpu.enqueue_indirect_dma source(%dma_start3A_177 : memref<8192x128xf32, #tpu.memory_space<hbm>>) target(%arg12 : memref<256x128xf32, #tpu.memory_space<vmem>>) offsets(%dma_start3A_174 : memref<256xi32, #tpu.memory_space<vmem>>) semaphore(%arg15 : memref<!tpu.dma_semaphore, #tpu.memory_space<semaphore_mem>>)
    %dma_wait3A_178 = arith.constant 4 : i32
    %dma_wait3A_179 = arith.constant 0 : i32
    %dma_wait3A_180 = tpu.memref_slice %arg9[%dma_wait3A_178, %dma_wait3A_179] : memref<8x256xi32, #tpu.memory_space<vmem>> -> memref<1x256xi32, #tpu.memory_space<vmem>>
    %dma_wait3A_181 = tpu.memref_squeeze %dma_wait3A_180 : memref<1x256xi32, #tpu.memory_space<vmem>> -> memref<256xi32, #tpu.memory_space<vmem>>
    %dma_wait3A_182 = arith.constant 0 : i32
    %dma_wait3A_183 = arith.constant 0 : i32
    %dma_wait3A_184 = tpu.memref_slice %arg4[%dma_wait3A_182, %dma_wait3A_183] : memref<8192x128xf32, #tpu.memory_space<hbm>> -> memref<8192x128xf32, #tpu.memory_space<hbm>>
    tpu.wait_indirect_dma semaphore(%arg14 : memref<!tpu.dma_semaphore, #tpu.memory_space<semaphore_mem>>) src(%dma_wait3A_184 : memref<8192x128xf32, #tpu.memory_space<hbm>>) dst(%arg11 : memref<256x128xf32, #tpu.memory_space<vmem>>)
    %add3A_185 = arith.constant 1024 : i32
    %add3A_186 = arith.addi %mul3A_38, %add3A_185 : i32
    %dma_start3A_187 = arith.constant 0 : i32
    %dma_start3A_188 = tpu.memref_slice %arg5[%add3A_186, %dma_start3A_187] : memref<65536x128xf32, #tpu.memory_space<hbm>> -> memref<256x128xf32, #tpu.memory_space<hbm>>
    %dma_start3A_189 = arith.constant 0 : i32
    %dma_start3A_190 = tpu.memref_slice %arg5[%add3A_186, %dma_start3A_189] : memref<65536x128xf32, #tpu.memory_space<hbm>> -> memref<256x128xf32, #tpu.memory_space<hbm>>
    tpu.enqueue_dma source(%arg11 : memref<256x128xf32, #tpu.memory_space<vmem>>) target(%dma_start3A_190 : memref<256x128xf32, #tpu.memory_space<hbm>>) target_semaphore(%arg17 : memref<!tpu.dma_semaphore, #tpu.memory_space<semaphore_mem>>)
    %scan3A_191 = arith.constant 0 : i32
    %scan3A_192 = arith.constant 0 : i32
    %scan3A_193 = arith.constant 8 : i32
    %scan3A_194 = arith.addi %scan3A_192, %scan3A_193 : i32
    %scan3A_195 = arith.constant 1 : i32
    scf.for %scan3A_276 = %scan3A_192 to %scan3A_194 step %scan3A_195  : i32 {
      %add3A_277 = arith.constant 48 : i32
      %add3A_278 = arith.addi %add3A_277, %scan3A_276 : i32
      %broadcast_in_dim3A = vector.broadcast %add3A_278 : i32 to vector<16xi32>
      %gather3A = tpu.vector_load_idx %arg7[%broadcast_in_dim3A] : memref<192xf32, #tpu.memory_space<vmem>>[vector<16xi32>], vector<16xf32>,
      %add3A_279 = arith.constant 64 : i32
      %add3A_280 = vector.broadcast %add3A_279 : i32 to vector<16xi32>
      %add3A_281 = arith.addi %broadcast_in_dim3A, %add3A_280 : vector<16xi32>
      %gather3A_282 = tpu.vector_load_idx %arg7[%add3A_281] : memref<192xf32, #tpu.memory_space<vmem>>[vector<16xi32>], vector<16xf32>,
      %add3A_283 = arith.constant 128 : i32
      %add3A_284 = vector.broadcast %add3A_283 : i32 to vector<16xi32>
      %add3A_285 = arith.addi %broadcast_in_dim3A, %add3A_284 : vector<16xi32>
      %gather3A_286 = tpu.vector_load_idx %arg7[%add3A_285] : memref<192xf32, #tpu.memory_space<vmem>>[vector<16xi32>], vector<16xf32>,
      %while3A = arith.constant 0 : i32
      %while3A_287 = arith.constant 0 : i32
      %while3A_288:2 = scf.while (%while3A_331 = %while3A, %while3A_332 = %while3A_287) : (i32, i32) -> (i32, i32) {
        %lt3A_333 = arith.constant 32 : i32
        %lt3A_334 = arith.cmpi slt, %while3A_332, %lt3A_333 : i32
        %lt3A_335 = arith.constant 256 : i32
        %lt3A_336 = arith.cmpi slt, %while3A_331, %lt3A_335 : i32
        %and3A_337 = arith.andi %lt3A_334, %lt3A_336 : i1
        scf.condition(%and3A_337) %while3A_331, %while3A_332 : i32, i32
      } do {
      ^bb0(%while3A_331: i32, %while3A_332: i32):
        %mul3A_333 = arith.constant 16 : i32
        %mul3A_334 = arith.muli %while3A_331, %mul3A_333 : i32
        %get3A_335 = arith.constant 0 : i32
        %get3A_336 = arith.index_cast %get3A_335 : i32 to index
        %get3A_337 = arith.index_cast %mul3A_334 : i32 to index
        %get3A_338 = tpu.vector_load %arg6[%get3A_336, %get3A_337] {strides = array<i32>} : memref<3x4096xf32, #tpu.memory_space<vmem>>, vector<16xf32>,
        %get3A_339 = arith.constant 1 : i32
        %get3A_340 = arith.index_cast %get3A_339 : i32 to index
        %get3A_341 = arith.index_cast %mul3A_334 : i32 to index
        %get3A_342 = tpu.vector_load %arg6[%get3A_340, %get3A_341] {strides = array<i32>} : memref<3x4096xf32, #tpu.memory_space<vmem>>, vector<16xf32>,
        %get3A_343 = arith.constant 2 : i32
        %get3A_344 = arith.index_cast %get3A_343 : i32 to index
        %get3A_345 = arith.index_cast %mul3A_334 : i32 to index
        %get3A_346 = tpu.vector_load %arg6[%get3A_344, %get3A_345] {strides = array<i32>} : memref<3x4096xf32, #tpu.memory_space<vmem>>, vector<16xf32>,
        %sub3A_347 = arith.subf %get3A_338, %gather3A : vector<16xf32>
        %sub3A_348 = arith.subf %get3A_342, %gather3A_282 : vector<16xf32>
        %sub3A_349 = arith.subf %get3A_346, %gather3A_286 : vector<16xf32>
        %mul3A_350 = arith.mulf %sub3A_347, %sub3A_347 : vector<16xf32>
        %mul3A_351 = arith.mulf %sub3A_348, %sub3A_348 : vector<16xf32>
        %add3A_352 = arith.addf %mul3A_350, %mul3A_351 : vector<16xf32>
        %mul3A_353 = arith.mulf %sub3A_349, %sub3A_349 : vector<16xf32>
        %add3A_354 = arith.addf %add3A_352, %mul3A_353 : vector<16xf32>
        %lt3A_355 = arith.constant 1.600000e-01 : f32
        %lt3A_356 = vector.broadcast %lt3A_355 : f32 to vector<16xf32>
        %lt3A_357 = arith.cmpf olt, %add3A_354, %lt3A_356 : vector<16xf32>
        %iota3A_358 = tpu.iota {dimensions = array<i32: 0>} : vector<16xi32>
        %add3A_359 = vector.broadcast %mul3A_334 : i32 to vector<16xi32>
        %add3A_360 = arith.addi %iota3A_358, %add3A_359 : vector<16xi32>
        %swap3A_361 = arith.index_cast %while3A_332 : i32 to index
        %swap3A_362 = tpu.vector_load %arg8[%swap3A_361] masked %lt3A_357 {strides = array<i32>} : memref<48xi32, #tpu.memory_space<vmem>>, vector<16xi32>, vector<16xi1>
        tpu.vector_store %arg8[%swap3A_361], %add3A_360 masked %lt3A_357 {strides = array<i32>} : memref<48xi32, #tpu.memory_space<vmem>>, vector<16xi32>, vector<16xi1>
        %all_reduce_population_count3A = tpu.all_reduce %lt3A_357 {dim = 0 : i64, kind = #tpu.reduction_kind<sum>} : vector<16xi1> -> vector<16xi32>
        %add3A_363 = arith.constant 1 : i32
        %add3A_364 = arith.addi %while3A_331, %add3A_363 : i32
        %reduce_max3A = arith.constant true
        %reduce_max3A_365 = vector.broadcast %reduce_max3A : i1 to vector<16xi1>
        %reduce_max3A_366 = arith.constant -2147483648 : i32
        %reduce_max3A_367 = vector.broadcast %reduce_max3A_366 : i32 to vector<16xi32>
        %reduce_max3A_368 = arith.xori %all_reduce_population_count3A, %reduce_max3A_367 : vector<16xi32>
        %reduce_max3A_369 = tpu.scan <max>, %reduce_max3A_368 masked %reduce_max3A_365 : vector<16xi32>, vector<16xi1> -> vector<16xi32>
        %reduce_max3A_370 = arith.xori %reduce_max3A_369, %reduce_max3A_367 : vector<16xi32>
        %reduce_max3A_371 = vector.extract %reduce_max3A_370[15] : i32 from vector<16xi32>
        %add3A_372 = arith.addi %while3A_332, %reduce_max3A_371 : i32
        scf.yield %add3A_364, %add3A_372 : i32, i32
      }
      %broadcast_in_dim3A_289 = vector.broadcast %while3A_288#1 : i32 to vector<16xi32>
      %broadcast_in_dim3A_290 = arith.constant 0 : i32
      %broadcast_in_dim3A_291 = vector.broadcast %broadcast_in_dim3A_290 : i32 to vector<16xi32>
      %gather3A_292 = tpu.vector_load_idx %arg8[%broadcast_in_dim3A_291] : memref<48xi32, #tpu.memory_space<vmem>>[vector<16xi32>], vector<16xi32>,
      %gt3A = arith.constant 0 : i32
      %gt3A_293 = vector.broadcast %gt3A : i32 to vector<16xi32>
      %gt3A_294 = arith.cmpi sgt, %broadcast_in_dim3A_289, %gt3A_293 : vector<16xi32>
      %broadcast_in_dim3A_295 = arith.constant 0 : i32
      %broadcast_in_dim3A_296 = vector.broadcast %broadcast_in_dim3A_295 : i32 to vector<16xi32>
      %select_n3A_297 = arith.select %gt3A_294, %gather3A_292, %broadcast_in_dim3A_296 : vector<16xi1>, vector<16xi32>
      %iota3A = tpu.iota {dimensions = array<i32: 0>} : vector<16xi32>
      %add3A_298 = arith.constant 0 : i32
      %add3A_299 = vector.broadcast %add3A_298 : i32 to vector<16xi32>
      %add3A_300 = arith.addi %iota3A, %add3A_299 : vector<16xi32>
      %get3A = arith.constant 0 : index
      %get3A_301 = tpu.vector_load %arg8[%get3A] {strides = array<i32>} : memref<48xi32, #tpu.memory_space<vmem>>, vector<16xi32>,
      %lt3A_302 = arith.cmpi slt, %add3A_300, %broadcast_in_dim3A_289 : vector<16xi32>
      %select_n3A_303 = arith.select %lt3A_302, %get3A_301, %select_n3A_297 : vector<16xi1>, vector<16xi32>
      %add3A_304 = vector.broadcast %mul3A_36 : i32 to vector<16xi32>
      %add3A_305 = arith.addi %select_n3A_303, %add3A_304 : vector<16xi32>
      %mul3A_306 = arith.constant 32 : i32
      %mul3A_307 = arith.muli %scan3A_276, %mul3A_306 : i32
      %add3A_308 = arith.constant 0 : i32
      %add3A_309 = arith.addi %mul3A_307, %add3A_308 : i32
      %swap3A = arith.constant 6 : i32
      %swap3A_310 = arith.index_cast %swap3A : i32 to index
      %swap3A_311 = arith.index_cast %add3A_309 : i32 to index
      %swap3A_312 = tpu.vector_load %arg9[%swap3A_310, %swap3A_311] {strides = array<i32>} : memref<8x256xi32, #tpu.memory_space<vmem>>, vector<16xi32>,
      tpu.vector_store %arg9[%swap3A_310, %swap3A_311], %add3A_305 {strides = array<i32>} : memref<8x256xi32, #tpu.memory_space<vmem>>, vector<16xi32>,
      %iota3A_313 = tpu.iota {dimensions = array<i32: 0>} : vector<16xi32>
      %add3A_314 = arith.constant 16 : i32
      %add3A_315 = vector.broadcast %add3A_314 : i32 to vector<16xi32>
      %add3A_316 = arith.addi %iota3A_313, %add3A_315 : vector<16xi32>
      %get3A_317 = arith.constant 16 : index
      %get3A_318 = tpu.vector_load %arg8[%get3A_317] {strides = array<i32>} : memref<48xi32, #tpu.memory_space<vmem>>, vector<16xi32>,
      %lt3A_319 = arith.cmpi slt, %add3A_316, %broadcast_in_dim3A_289 : vector<16xi32>
      %select_n3A_320 = arith.select %lt3A_319, %get3A_318, %select_n3A_297 : vector<16xi1>, vector<16xi32>
      %add3A_321 = vector.broadcast %mul3A_36 : i32 to vector<16xi32>
      %add3A_322 = arith.addi %select_n3A_320, %add3A_321 : vector<16xi32>
      %mul3A_323 = arith.constant 32 : i32
      %mul3A_324 = arith.muli %scan3A_276, %mul3A_323 : i32
      %add3A_325 = arith.constant 16 : i32
      %add3A_326 = arith.addi %mul3A_324, %add3A_325 : i32
      %swap3A_327 = arith.constant 6 : i32
      %swap3A_328 = arith.index_cast %swap3A_327 : i32 to index
      %swap3A_329 = arith.index_cast %add3A_326 : i32 to index
      %swap3A_330 = tpu.vector_load %arg9[%swap3A_328, %swap3A_329] {strides = array<i32>} : memref<8x256xi32, #tpu.memory_space<vmem>>, vector<16xi32>,
      tpu.vector_store %arg9[%swap3A_328, %swap3A_329], %add3A_322 {strides = array<i32>} : memref<8x256xi32, #tpu.memory_space<vmem>>, vector<16xi32>,
    }
    %scan3A_196 = arith.constant 8 : i32
    %dma_wait3A_197 = arith.constant 0 : i32
    %dma_wait3A_198 = tpu.memref_slice %arg5[%add3A_156, %dma_wait3A_197] : memref<65536x128xf32, #tpu.memory_space<hbm>> -> memref<256x128xf32, #tpu.memory_space<hbm>>
    %dma_wait3A_199 = arith.constant 0 : i32
    %dma_wait3A_200 = tpu.memref_slice %arg5[%add3A_156, %dma_wait3A_199] : memref<65536x128xf32, #tpu.memory_space<hbm>> -> memref<256x128xf32, #tpu.memory_space<hbm>>
    tpu.wait_dma2 semaphore(%arg16 : memref<!tpu.dma_semaphore, #tpu.memory_space<semaphore_mem>>) src(%arg10 : memref<256x128xf32, #tpu.memory_space<vmem>>) dst(%dma_wait3A_200 : memref<256x128xf32, #tpu.memory_space<hbm>>)
    %dma_start3A_201 = arith.constant 6 : i32
    %dma_start3A_202 = arith.constant 0 : i32
    %dma_start3A_203 = tpu.memref_slice %arg9[%dma_start3A_201, %dma_start3A_202] : memref<8x256xi32, #tpu.memory_space<vmem>> -> memref<1x256xi32, #tpu.memory_space<vmem>>
    %dma_start3A_204 = tpu.memref_squeeze %dma_start3A_203 : memref<1x256xi32, #tpu.memory_space<vmem>> -> memref<256xi32, #tpu.memory_space<vmem>>
    %dma_start3A_205 = arith.constant 0 : i32
    %dma_start3A_206 = arith.constant 0 : i32
    %dma_start3A_207 = tpu.memref_slice %arg4[%dma_start3A_205, %dma_start3A_206] : memref<8192x128xf32, #tpu.memory_space<hbm>> -> memref<8192x128xf32, #tpu.memory_space<hbm>>
    tpu.enqueue_indirect_dma source(%dma_start3A_207 : memref<8192x128xf32, #tpu.memory_space<hbm>>) target(%arg10 : memref<256x128xf32, #tpu.memory_space<vmem>>) offsets(%dma_start3A_204 : memref<256xi32, #tpu.memory_space<vmem>>) semaphore(%arg13 : memref<!tpu.dma_semaphore, #tpu.memory_space<semaphore_mem>>)
    %dma_wait3A_208 = arith.constant 5 : i32
    %dma_wait3A_209 = arith.constant 0 : i32
    %dma_wait3A_210 = tpu.memref_slice %arg9[%dma_wait3A_208, %dma_wait3A_209] : memref<8x256xi32, #tpu.memory_space<vmem>> -> memref<1x256xi32, #tpu.memory_space<vmem>>
    %dma_wait3A_211 = tpu.memref_squeeze %dma_wait3A_210 : memref<1x256xi32, #tpu.memory_space<vmem>> -> memref<256xi32, #tpu.memory_space<vmem>>
    %dma_wait3A_212 = arith.constant 0 : i32
    %dma_wait3A_213 = arith.constant 0 : i32
    %dma_wait3A_214 = tpu.memref_slice %arg4[%dma_wait3A_212, %dma_wait3A_213] : memref<8192x128xf32, #tpu.memory_space<hbm>> -> memref<8192x128xf32, #tpu.memory_space<hbm>>
    tpu.wait_indirect_dma semaphore(%arg15 : memref<!tpu.dma_semaphore, #tpu.memory_space<semaphore_mem>>) src(%dma_wait3A_214 : memref<8192x128xf32, #tpu.memory_space<hbm>>) dst(%arg12 : memref<256x128xf32, #tpu.memory_space<vmem>>)
    %add3A_215 = arith.constant 1280 : i32
    %add3A_216 = arith.addi %mul3A_38, %add3A_215 : i32
    %dma_start3A_217 = arith.constant 0 : i32
    %dma_start3A_218 = tpu.memref_slice %arg5[%add3A_216, %dma_start3A_217] : memref<65536x128xf32, #tpu.memory_space<hbm>> -> memref<256x128xf32, #tpu.memory_space<hbm>>
    %dma_start3A_219 = arith.constant 0 : i32
    %dma_start3A_220 = tpu.memref_slice %arg5[%add3A_216, %dma_start3A_219] : memref<65536x128xf32, #tpu.memory_space<hbm>> -> memref<256x128xf32, #tpu.memory_space<hbm>>
    tpu.enqueue_dma source(%arg12 : memref<256x128xf32, #tpu.memory_space<vmem>>) target(%dma_start3A_220 : memref<256x128xf32, #tpu.memory_space<hbm>>) target_semaphore(%arg18 : memref<!tpu.dma_semaphore, #tpu.memory_space<semaphore_mem>>)
    %scan3A_221 = arith.constant 0 : i32
    %scan3A_222 = arith.constant 0 : i32
    %scan3A_223 = arith.constant 8 : i32
    %scan3A_224 = arith.addi %scan3A_222, %scan3A_223 : i32
    %scan3A_225 = arith.constant 1 : i32
    scf.for %scan3A_276 = %scan3A_222 to %scan3A_224 step %scan3A_225  : i32 {
      %add3A_277 = arith.constant 56 : i32
      %add3A_278 = arith.addi %add3A_277, %scan3A_276 : i32
      %broadcast_in_dim3A = vector.broadcast %add3A_278 : i32 to vector<16xi32>
      %gather3A = tpu.vector_load_idx %arg7[%broadcast_in_dim3A] : memref<192xf32, #tpu.memory_space<vmem>>[vector<16xi32>], vector<16xf32>,
      %add3A_279 = arith.constant 64 : i32
      %add3A_280 = vector.broadcast %add3A_279 : i32 to vector<16xi32>
      %add3A_281 = arith.addi %broadcast_in_dim3A, %add3A_280 : vector<16xi32>
      %gather3A_282 = tpu.vector_load_idx %arg7[%add3A_281] : memref<192xf32, #tpu.memory_space<vmem>>[vector<16xi32>], vector<16xf32>,
      %add3A_283 = arith.constant 128 : i32
      %add3A_284 = vector.broadcast %add3A_283 : i32 to vector<16xi32>
      %add3A_285 = arith.addi %broadcast_in_dim3A, %add3A_284 : vector<16xi32>
      %gather3A_286 = tpu.vector_load_idx %arg7[%add3A_285] : memref<192xf32, #tpu.memory_space<vmem>>[vector<16xi32>], vector<16xf32>,
      %while3A = arith.constant 0 : i32
      %while3A_287 = arith.constant 0 : i32
      %while3A_288:2 = scf.while (%while3A_331 = %while3A, %while3A_332 = %while3A_287) : (i32, i32) -> (i32, i32) {
        %lt3A_333 = arith.constant 32 : i32
        %lt3A_334 = arith.cmpi slt, %while3A_332, %lt3A_333 : i32
        %lt3A_335 = arith.constant 256 : i32
        %lt3A_336 = arith.cmpi slt, %while3A_331, %lt3A_335 : i32
        %and3A_337 = arith.andi %lt3A_334, %lt3A_336 : i1
        scf.condition(%and3A_337) %while3A_331, %while3A_332 : i32, i32
      } do {
      ^bb0(%while3A_331: i32, %while3A_332: i32):
        %mul3A_333 = arith.constant 16 : i32
        %mul3A_334 = arith.muli %while3A_331, %mul3A_333 : i32
        %get3A_335 = arith.constant 0 : i32
        %get3A_336 = arith.index_cast %get3A_335 : i32 to index
        %get3A_337 = arith.index_cast %mul3A_334 : i32 to index
        %get3A_338 = tpu.vector_load %arg6[%get3A_336, %get3A_337] {strides = array<i32>} : memref<3x4096xf32, #tpu.memory_space<vmem>>, vector<16xf32>,
        %get3A_339 = arith.constant 1 : i32
        %get3A_340 = arith.index_cast %get3A_339 : i32 to index
        %get3A_341 = arith.index_cast %mul3A_334 : i32 to index
        %get3A_342 = tpu.vector_load %arg6[%get3A_340, %get3A_341] {strides = array<i32>} : memref<3x4096xf32, #tpu.memory_space<vmem>>, vector<16xf32>,
        %get3A_343 = arith.constant 2 : i32
        %get3A_344 = arith.index_cast %get3A_343 : i32 to index
        %get3A_345 = arith.index_cast %mul3A_334 : i32 to index
        %get3A_346 = tpu.vector_load %arg6[%get3A_344, %get3A_345] {strides = array<i32>} : memref<3x4096xf32, #tpu.memory_space<vmem>>, vector<16xf32>,
        %sub3A_347 = arith.subf %get3A_338, %gather3A : vector<16xf32>
        %sub3A_348 = arith.subf %get3A_342, %gather3A_282 : vector<16xf32>
        %sub3A_349 = arith.subf %get3A_346, %gather3A_286 : vector<16xf32>
        %mul3A_350 = arith.mulf %sub3A_347, %sub3A_347 : vector<16xf32>
        %mul3A_351 = arith.mulf %sub3A_348, %sub3A_348 : vector<16xf32>
        %add3A_352 = arith.addf %mul3A_350, %mul3A_351 : vector<16xf32>
        %mul3A_353 = arith.mulf %sub3A_349, %sub3A_349 : vector<16xf32>
        %add3A_354 = arith.addf %add3A_352, %mul3A_353 : vector<16xf32>
        %lt3A_355 = arith.constant 1.600000e-01 : f32
        %lt3A_356 = vector.broadcast %lt3A_355 : f32 to vector<16xf32>
        %lt3A_357 = arith.cmpf olt, %add3A_354, %lt3A_356 : vector<16xf32>
        %iota3A_358 = tpu.iota {dimensions = array<i32: 0>} : vector<16xi32>
        %add3A_359 = vector.broadcast %mul3A_334 : i32 to vector<16xi32>
        %add3A_360 = arith.addi %iota3A_358, %add3A_359 : vector<16xi32>
        %swap3A_361 = arith.index_cast %while3A_332 : i32 to index
        %swap3A_362 = tpu.vector_load %arg8[%swap3A_361] masked %lt3A_357 {strides = array<i32>} : memref<48xi32, #tpu.memory_space<vmem>>, vector<16xi32>, vector<16xi1>
        tpu.vector_store %arg8[%swap3A_361], %add3A_360 masked %lt3A_357 {strides = array<i32>} : memref<48xi32, #tpu.memory_space<vmem>>, vector<16xi32>, vector<16xi1>
        %all_reduce_population_count3A = tpu.all_reduce %lt3A_357 {dim = 0 : i64, kind = #tpu.reduction_kind<sum>} : vector<16xi1> -> vector<16xi32>
        %add3A_363 = arith.constant 1 : i32
        %add3A_364 = arith.addi %while3A_331, %add3A_363 : i32
        %reduce_max3A = arith.constant true
        %reduce_max3A_365 = vector.broadcast %reduce_max3A : i1 to vector<16xi1>
        %reduce_max3A_366 = arith.constant -2147483648 : i32
        %reduce_max3A_367 = vector.broadcast %reduce_max3A_366 : i32 to vector<16xi32>
        %reduce_max3A_368 = arith.xori %all_reduce_population_count3A, %reduce_max3A_367 : vector<16xi32>
        %reduce_max3A_369 = tpu.scan <max>, %reduce_max3A_368 masked %reduce_max3A_365 : vector<16xi32>, vector<16xi1> -> vector<16xi32>
        %reduce_max3A_370 = arith.xori %reduce_max3A_369, %reduce_max3A_367 : vector<16xi32>
        %reduce_max3A_371 = vector.extract %reduce_max3A_370[15] : i32 from vector<16xi32>
        %add3A_372 = arith.addi %while3A_332, %reduce_max3A_371 : i32
        scf.yield %add3A_364, %add3A_372 : i32, i32
      }
      %broadcast_in_dim3A_289 = vector.broadcast %while3A_288#1 : i32 to vector<16xi32>
      %broadcast_in_dim3A_290 = arith.constant 0 : i32
      %broadcast_in_dim3A_291 = vector.broadcast %broadcast_in_dim3A_290 : i32 to vector<16xi32>
      %gather3A_292 = tpu.vector_load_idx %arg8[%broadcast_in_dim3A_291] : memref<48xi32, #tpu.memory_space<vmem>>[vector<16xi32>], vector<16xi32>,
      %gt3A = arith.constant 0 : i32
      %gt3A_293 = vector.broadcast %gt3A : i32 to vector<16xi32>
      %gt3A_294 = arith.cmpi sgt, %broadcast_in_dim3A_289, %gt3A_293 : vector<16xi32>
      %broadcast_in_dim3A_295 = arith.constant 0 : i32
      %broadcast_in_dim3A_296 = vector.broadcast %broadcast_in_dim3A_295 : i32 to vector<16xi32>
      %select_n3A_297 = arith.select %gt3A_294, %gather3A_292, %broadcast_in_dim3A_296 : vector<16xi1>, vector<16xi32>
      %iota3A = tpu.iota {dimensions = array<i32: 0>} : vector<16xi32>
      %add3A_298 = arith.constant 0 : i32
      %add3A_299 = vector.broadcast %add3A_298 : i32 to vector<16xi32>
      %add3A_300 = arith.addi %iota3A, %add3A_299 : vector<16xi32>
      %get3A = arith.constant 0 : index
      %get3A_301 = tpu.vector_load %arg8[%get3A] {strides = array<i32>} : memref<48xi32, #tpu.memory_space<vmem>>, vector<16xi32>,
      %lt3A_302 = arith.cmpi slt, %add3A_300, %broadcast_in_dim3A_289 : vector<16xi32>
      %select_n3A_303 = arith.select %lt3A_302, %get3A_301, %select_n3A_297 : vector<16xi1>, vector<16xi32>
      %add3A_304 = vector.broadcast %mul3A_36 : i32 to vector<16xi32>
      %add3A_305 = arith.addi %select_n3A_303, %add3A_304 : vector<16xi32>
      %mul3A_306 = arith.constant 32 : i32
      %mul3A_307 = arith.muli %scan3A_276, %mul3A_306 : i32
      %add3A_308 = arith.constant 0 : i32
      %add3A_309 = arith.addi %mul3A_307, %add3A_308 : i32
      %swap3A = arith.constant 7 : i32
      %swap3A_310 = arith.index_cast %swap3A : i32 to index
      %swap3A_311 = arith.index_cast %add3A_309 : i32 to index
      %swap3A_312 = tpu.vector_load %arg9[%swap3A_310, %swap3A_311] {strides = array<i32>} : memref<8x256xi32, #tpu.memory_space<vmem>>, vector<16xi32>,
      tpu.vector_store %arg9[%swap3A_310, %swap3A_311], %add3A_305 {strides = array<i32>} : memref<8x256xi32, #tpu.memory_space<vmem>>, vector<16xi32>,
      %iota3A_313 = tpu.iota {dimensions = array<i32: 0>} : vector<16xi32>
      %add3A_314 = arith.constant 16 : i32
      %add3A_315 = vector.broadcast %add3A_314 : i32 to vector<16xi32>
      %add3A_316 = arith.addi %iota3A_313, %add3A_315 : vector<16xi32>
      %get3A_317 = arith.constant 16 : index
      %get3A_318 = tpu.vector_load %arg8[%get3A_317] {strides = array<i32>} : memref<48xi32, #tpu.memory_space<vmem>>, vector<16xi32>,
      %lt3A_319 = arith.cmpi slt, %add3A_316, %broadcast_in_dim3A_289 : vector<16xi32>
      %select_n3A_320 = arith.select %lt3A_319, %get3A_318, %select_n3A_297 : vector<16xi1>, vector<16xi32>
      %add3A_321 = vector.broadcast %mul3A_36 : i32 to vector<16xi32>
      %add3A_322 = arith.addi %select_n3A_320, %add3A_321 : vector<16xi32>
      %mul3A_323 = arith.constant 32 : i32
      %mul3A_324 = arith.muli %scan3A_276, %mul3A_323 : i32
      %add3A_325 = arith.constant 16 : i32
      %add3A_326 = arith.addi %mul3A_324, %add3A_325 : i32
      %swap3A_327 = arith.constant 7 : i32
      %swap3A_328 = arith.index_cast %swap3A_327 : i32 to index
      %swap3A_329 = arith.index_cast %add3A_326 : i32 to index
      %swap3A_330 = tpu.vector_load %arg9[%swap3A_328, %swap3A_329] {strides = array<i32>} : memref<8x256xi32, #tpu.memory_space<vmem>>, vector<16xi32>,
      tpu.vector_store %arg9[%swap3A_328, %swap3A_329], %add3A_322 {strides = array<i32>} : memref<8x256xi32, #tpu.memory_space<vmem>>, vector<16xi32>,
    }
    %scan3A_226 = arith.constant 8 : i32
    %dma_wait3A_227 = arith.constant 0 : i32
    %dma_wait3A_228 = tpu.memref_slice %arg5[%add3A_186, %dma_wait3A_227] : memref<65536x128xf32, #tpu.memory_space<hbm>> -> memref<256x128xf32, #tpu.memory_space<hbm>>
    %dma_wait3A_229 = arith.constant 0 : i32
    %dma_wait3A_230 = tpu.memref_slice %arg5[%add3A_186, %dma_wait3A_229] : memref<65536x128xf32, #tpu.memory_space<hbm>> -> memref<256x128xf32, #tpu.memory_space<hbm>>
    tpu.wait_dma2 semaphore(%arg17 : memref<!tpu.dma_semaphore, #tpu.memory_space<semaphore_mem>>) src(%arg11 : memref<256x128xf32, #tpu.memory_space<vmem>>) dst(%dma_wait3A_230 : memref<256x128xf32, #tpu.memory_space<hbm>>)
    %dma_start3A_231 = arith.constant 7 : i32
    %dma_start3A_232 = arith.constant 0 : i32
    %dma_start3A_233 = tpu.memref_slice %arg9[%dma_start3A_231, %dma_start3A_232] : memref<8x256xi32, #tpu.memory_space<vmem>> -> memref<1x256xi32, #tpu.memory_space<vmem>>
    %dma_start3A_234 = tpu.memref_squeeze %dma_start3A_233 : memref<1x256xi32, #tpu.memory_space<vmem>> -> memref<256xi32, #tpu.memory_space<vmem>>
    %dma_start3A_235 = arith.constant 0 : i32
    %dma_start3A_236 = arith.constant 0 : i32
    %dma_start3A_237 = tpu.memref_slice %arg4[%dma_start3A_235, %dma_start3A_236] : memref<8192x128xf32, #tpu.memory_space<hbm>> -> memref<8192x128xf32, #tpu.memory_space<hbm>>
    tpu.enqueue_indirect_dma source(%dma_start3A_237 : memref<8192x128xf32, #tpu.memory_space<hbm>>) target(%arg11 : memref<256x128xf32, #tpu.memory_space<vmem>>) offsets(%dma_start3A_234 : memref<256xi32, #tpu.memory_space<vmem>>) semaphore(%arg14 : memref<!tpu.dma_semaphore, #tpu.memory_space<semaphore_mem>>)
    %dma_wait3A_238 = arith.constant 6 : i32
    %dma_wait3A_239 = arith.constant 0 : i32
    %dma_wait3A_240 = tpu.memref_slice %arg9[%dma_wait3A_238, %dma_wait3A_239] : memref<8x256xi32, #tpu.memory_space<vmem>> -> memref<1x256xi32, #tpu.memory_space<vmem>>
    %dma_wait3A_241 = tpu.memref_squeeze %dma_wait3A_240 : memref<1x256xi32, #tpu.memory_space<vmem>> -> memref<256xi32, #tpu.memory_space<vmem>>
    %dma_wait3A_242 = arith.constant 0 : i32
    %dma_wait3A_243 = arith.constant 0 : i32
    %dma_wait3A_244 = tpu.memref_slice %arg4[%dma_wait3A_242, %dma_wait3A_243] : memref<8192x128xf32, #tpu.memory_space<hbm>> -> memref<8192x128xf32, #tpu.memory_space<hbm>>
    tpu.wait_indirect_dma semaphore(%arg13 : memref<!tpu.dma_semaphore, #tpu.memory_space<semaphore_mem>>) src(%dma_wait3A_244 : memref<8192x128xf32, #tpu.memory_space<hbm>>) dst(%arg10 : memref<256x128xf32, #tpu.memory_space<vmem>>)
    %add3A_245 = arith.constant 1536 : i32
    %add3A_246 = arith.addi %mul3A_38, %add3A_245 : i32
    %dma_start3A_247 = arith.constant 0 : i32
    %dma_start3A_248 = tpu.memref_slice %arg5[%add3A_246, %dma_start3A_247] : memref<65536x128xf32, #tpu.memory_space<hbm>> -> memref<256x128xf32, #tpu.memory_space<hbm>>
    %dma_start3A_249 = arith.constant 0 : i32
    %dma_start3A_250 = tpu.memref_slice %arg5[%add3A_246, %dma_start3A_249] : memref<65536x128xf32, #tpu.memory_space<hbm>> -> memref<256x128xf32, #tpu.memory_space<hbm>>
    tpu.enqueue_dma source(%arg10 : memref<256x128xf32, #tpu.memory_space<vmem>>) target(%dma_start3A_250 : memref<256x128xf32, #tpu.memory_space<hbm>>) target_semaphore(%arg16 : memref<!tpu.dma_semaphore, #tpu.memory_space<semaphore_mem>>)
    %dma_wait3A_251 = arith.constant 7 : i32
    %dma_wait3A_252 = arith.constant 0 : i32
    %dma_wait3A_253 = tpu.memref_slice %arg9[%dma_wait3A_251, %dma_wait3A_252] : memref<8x256xi32, #tpu.memory_space<vmem>> -> memref<1x256xi32, #tpu.memory_space<vmem>>
    %dma_wait3A_254 = tpu.memref_squeeze %dma_wait3A_253 : memref<1x256xi32, #tpu.memory_space<vmem>> -> memref<256xi32, #tpu.memory_space<vmem>>
    %dma_wait3A_255 = arith.constant 0 : i32
    %dma_wait3A_256 = arith.constant 0 : i32
    %dma_wait3A_257 = tpu.memref_slice %arg4[%dma_wait3A_255, %dma_wait3A_256] : memref<8192x128xf32, #tpu.memory_space<hbm>> -> memref<8192x128xf32, #tpu.memory_space<hbm>>
    tpu.wait_indirect_dma semaphore(%arg14 : memref<!tpu.dma_semaphore, #tpu.memory_space<semaphore_mem>>) src(%dma_wait3A_257 : memref<8192x128xf32, #tpu.memory_space<hbm>>) dst(%arg11 : memref<256x128xf32, #tpu.memory_space<vmem>>)
    %add3A_258 = arith.constant 1792 : i32
    %add3A_259 = arith.addi %mul3A_38, %add3A_258 : i32
    %dma_start3A_260 = arith.constant 0 : i32
    %dma_start3A_261 = tpu.memref_slice %arg5[%add3A_259, %dma_start3A_260] : memref<65536x128xf32, #tpu.memory_space<hbm>> -> memref<256x128xf32, #tpu.memory_space<hbm>>
    %dma_start3A_262 = arith.constant 0 : i32
    %dma_start3A_263 = tpu.memref_slice %arg5[%add3A_259, %dma_start3A_262] : memref<65536x128xf32, #tpu.memory_space<hbm>> -> memref<256x128xf32, #tpu.memory_space<hbm>>
    tpu.enqueue_dma source(%arg11 : memref<256x128xf32, #tpu.memory_space<vmem>>) target(%dma_start3A_263 : memref<256x128xf32, #tpu.memory_space<hbm>>) target_semaphore(%arg17 : memref<!tpu.dma_semaphore, #tpu.memory_space<semaphore_mem>>)
    %dma_wait3A_264 = arith.constant 0 : i32
    %dma_wait3A_265 = tpu.memref_slice %arg5[%add3A_246, %dma_wait3A_264] : memref<65536x128xf32, #tpu.memory_space<hbm>> -> memref<256x128xf32, #tpu.memory_space<hbm>>
    %dma_wait3A_266 = arith.constant 0 : i32
    %dma_wait3A_267 = tpu.memref_slice %arg5[%add3A_246, %dma_wait3A_266] : memref<65536x128xf32, #tpu.memory_space<hbm>> -> memref<256x128xf32, #tpu.memory_space<hbm>>
    tpu.wait_dma2 semaphore(%arg16 : memref<!tpu.dma_semaphore, #tpu.memory_space<semaphore_mem>>) src(%arg10 : memref<256x128xf32, #tpu.memory_space<vmem>>) dst(%dma_wait3A_267 : memref<256x128xf32, #tpu.memory_space<hbm>>)
    %dma_wait3A_268 = arith.constant 0 : i32
    %dma_wait3A_269 = tpu.memref_slice %arg5[%add3A_259, %dma_wait3A_268] : memref<65536x128xf32, #tpu.memory_space<hbm>> -> memref<256x128xf32, #tpu.memory_space<hbm>>
    %dma_wait3A_270 = arith.constant 0 : i32
    %dma_wait3A_271 = tpu.memref_slice %arg5[%add3A_259, %dma_wait3A_270] : memref<65536x128xf32, #tpu.memory_space<hbm>> -> memref<256x128xf32, #tpu.memory_space<hbm>>
    tpu.wait_dma2 semaphore(%arg17 : memref<!tpu.dma_semaphore, #tpu.memory_space<semaphore_mem>>) src(%arg11 : memref<256x128xf32, #tpu.memory_space<vmem>>) dst(%dma_wait3A_271 : memref<256x128xf32, #tpu.memory_space<hbm>>)
    %dma_wait3A_272 = arith.constant 0 : i32
    %dma_wait3A_273 = tpu.memref_slice %arg5[%add3A_216, %dma_wait3A_272] : memref<65536x128xf32, #tpu.memory_space<hbm>> -> memref<256x128xf32, #tpu.memory_space<hbm>>
    %dma_wait3A_274 = arith.constant 0 : i32
    %dma_wait3A_275 = tpu.memref_slice %arg5[%add3A_216, %dma_wait3A_274] : memref<65536x128xf32, #tpu.memory_space<hbm>> -> memref<256x128xf32, #tpu.memory_space<hbm>>
    tpu.wait_dma2 semaphore(%arg18 : memref<!tpu.dma_semaphore, #tpu.memory_space<semaphore_mem>>) src(%arg12 : memref<256x128xf32, #tpu.memory_space<vmem>>) dst(%dma_wait3A_275 : memref<256x128xf32, #tpu.memory_space<hbm>>)
    return
  }
}

module attributes {stable_mosaic.version = 14 : i64} {
  func.func @_g_body(%arg0: i32, %arg1: memref<1x3x512xf32, #tpu.memory_space<vmem>>, %arg2: memref<1x128x512xf32, #tpu.memory_space<vmem>>, %arg3: memref<3x128xf32, #tpu.memory_space<vmem>>, %arg4: memref<128x128xf32, #tpu.memory_space<vmem>>, %arg5: memref<512x128xf32, #tpu.memory_space<vmem>>) attributes {dimension_semantics = [#tpu.dimension_semantics<arbitrary>], iteration_bounds = array<i64: 16>, scalar_prefetch = 0 : i64, scratch_operands = 0 : i64, tpu.core_type = #tpu.core_type<tc>, window_params = [{transform_indices = @transform_0, window_bounds = array<i64: 1, 3, 512>}, {transform_indices = @transform_1, window_bounds = array<i64: 1, 128, 512>}, {pipeline_mode = #tpu.pipeline_mode<synchronous>, transform_indices = @transform_2, window_bounds = array<i64: 3, 128>}, {pipeline_mode = #tpu.pipeline_mode<synchronous>, transform_indices = @transform_3, window_bounds = array<i64: 128, 128>}, {transform_indices = @transform_4, window_bounds = array<i64: 512, 128>}]} {
    %get3A = arith.constant 0 : index
    %get3A_0 = arith.constant 0 : index
    %get3A_1 = arith.constant 0 : index
    %get3A_2 = vector.load %arg1[%get3A, %get3A_0, %get3A_1] : memref<1x3x512xf32, #tpu.memory_space<vmem>>, vector<1x3x512xf32>
    %get3A_3 = vector.shape_cast %get3A_2 : vector<1x3x512xf32> to vector<3x512xf32>
    %get3A_4 = arith.constant 0 : index
    %get3A_5 = arith.constant 0 : index
    %get3A_6 = arith.constant 0 : index
    %get3A_7 = vector.load %arg2[%get3A_4, %get3A_5, %get3A_6] : memref<1x128x512xf32, #tpu.memory_space<vmem>>, vector<1x128x512xf32>
    %get3A_8 = vector.shape_cast %get3A_7 : vector<1x128x512xf32> to vector<128x512xf32>
    %get3A_9 = arith.constant 0 : index
    %get3A_10 = arith.constant 0 : index
    %get3A_11 = vector.load %arg3[%get3A_9, %get3A_10] : memref<3x128xf32, #tpu.memory_space<vmem>>, vector<3x128xf32>
    %dot_general3A = arith.constant dense<0.000000e+00> : vector<512x128xf32>
    %dot_general3A_12 = tpu.matmul %get3A_3, %get3A_11, %dot_general3A {dimension_numbers = #tpu.dot_dimension_numbers<[0], [0], [1], [1], [0, 1, 1, 1], [], []>, transpose_lhs_hint = false} : vector<3x512xf32>, vector<3x128xf32>, vector<512x128xf32> -> vector<512x128xf32>
    %get3A_13 = arith.constant 0 : index
    %get3A_14 = arith.constant 0 : index
    %get3A_15 = vector.load %arg4[%get3A_13, %get3A_14] : memref<128x128xf32, #tpu.memory_space<vmem>>, vector<128x128xf32>
    %dot_general3A_16 = arith.constant dense<0.000000e+00> : vector<512x128xf32>
    %dot_general3A_17 = tpu.matmul %get3A_8, %get3A_15, %dot_general3A_16 {dimension_numbers = #tpu.dot_dimension_numbers<[0], [0], [1], [1], [0, 1, 1, 1], [], []>, transpose_lhs_hint = false} : vector<128x512xf32>, vector<128x128xf32>, vector<512x128xf32> -> vector<512x128xf32>
    %add3A = arith.addf %dot_general3A_12, %dot_general3A_17 : vector<512x128xf32>
    %swap3A = arith.constant 0 : index
    %swap3A_18 = arith.constant 0 : index
    %swap3A_19 = vector.load %arg5[%swap3A, %swap3A_18] : memref<512x128xf32, #tpu.memory_space<vmem>>, vector<512x128xf32>
    tpu.vector_store %arg5[%swap3A, %swap3A_18], %add3A {strides = array<i32>} : memref<512x128xf32, #tpu.memory_space<vmem>>, vector<512x128xf32>,
    return
  }
  func.func @transform_0(%arg0: i32) -> (i32, i32, i32) {
    %jit3A = arith.constant 8 : i32
    %div3A = arith.divsi %arg0, %jit3A : i32
    %sign3A = arith.constant 0 : i32
    %sign3A_0 = arith.cmpi sgt, %arg0, %sign3A : i32
    %sign3A_1 = arith.extui %sign3A_0 : i1 to i32
    %sign3A_2 = arith.constant 0 : i32
    %sign3A_3 = arith.cmpi slt, %arg0, %sign3A_2 : i32
    %sign3A_4 = arith.extui %sign3A_3 : i1 to i32
    %sign3A_5 = arith.subi %sign3A_1, %sign3A_4 : i32
    %sign3A_6 = arith.constant 0 : i32
    %sign3A_7 = arith.cmpi sgt, %jit3A, %sign3A_6 : i32
    %sign3A_8 = arith.extui %sign3A_7 : i1 to i32
    %sign3A_9 = arith.constant 0 : i32
    %sign3A_10 = arith.cmpi slt, %jit3A, %sign3A_9 : i32
    %sign3A_11 = arith.extui %sign3A_10 : i1 to i32
    %sign3A_12 = arith.subi %sign3A_8, %sign3A_11 : i32
    %ne3A = arith.cmpi ne, %sign3A_5, %sign3A_12 : i32
    %rem3A = arith.remsi %arg0, %jit3A : i32
    %ne3A_13 = arith.constant 0 : i32
    %ne3A_14 = arith.cmpi ne, %rem3A, %ne3A_13 : i32
    %and3A = arith.andi %ne3A, %ne3A_14 : i1
    %sub3A = arith.constant 1 : i32
    %sub3A_15 = arith.subi %div3A, %sub3A : i32
    %select_n3A = arith.select %and3A, %sub3A_15, %div3A : i32
    %jit3A_16 = arith.constant 8 : i32
    %eq3A = arith.constant 0 : i32
    %eq3A_17 = arith.cmpi eq, %jit3A_16, %eq3A : i32
    %jit3A_18 = arith.constant 1 : i32
    %select_n3A_19 = arith.select %eq3A_17, %jit3A_18, %jit3A_16 : i32
    %rem3A_20 = arith.remsi %arg0, %select_n3A_19 : i32
    %ne3A_21 = arith.constant 0 : i32
    %ne3A_22 = arith.cmpi ne, %rem3A_20, %ne3A_21 : i32
    %lt3A = arith.constant 0 : i32
    %lt3A_23 = arith.cmpi slt, %rem3A_20, %lt3A : i32
    %lt3A_24 = arith.constant 0 : i32
    %lt3A_25 = arith.cmpi slt, %select_n3A_19, %lt3A_24 : i32
    %ne3A_26 = arith.xori %lt3A_23, %lt3A_25 : i1
    %and3A_27 = arith.andi %ne3A_26, %ne3A_22 : i1
    %add3A = arith.addi %rem3A_20, %select_n3A_19 : i32
    %select_n3A_28 = arith.select %and3A_27, %add3A, %rem3A_20 : i32
    %c0_i32 = arith.constant 0 : i32
    %c0_i32_29 = arith.constant 0 : i32
    return %select_n3A, %c0_i32, %select_n3A_28 : i32, i32, i32
  }
  func.func @transform_1(%arg0: i32) -> (i32, i32, i32) {
    %jit3A = arith.constant 8 : i32
    %div3A = arith.divsi %arg0, %jit3A : i32
    %sign3A = arith.constant 0 : i32
    %sign3A_0 = arith.cmpi sgt, %arg0, %sign3A : i32
    %sign3A_1 = arith.extui %sign3A_0 : i1 to i32
    %sign3A_2 = arith.constant 0 : i32
    %sign3A_3 = arith.cmpi slt, %arg0, %sign3A_2 : i32
    %sign3A_4 = arith.extui %sign3A_3 : i1 to i32
    %sign3A_5 = arith.subi %sign3A_1, %sign3A_4 : i32
    %sign3A_6 = arith.constant 0 : i32
    %sign3A_7 = arith.cmpi sgt, %jit3A, %sign3A_6 : i32
    %sign3A_8 = arith.extui %sign3A_7 : i1 to i32
    %sign3A_9 = arith.constant 0 : i32
    %sign3A_10 = arith.cmpi slt, %jit3A, %sign3A_9 : i32
    %sign3A_11 = arith.extui %sign3A_10 : i1 to i32
    %sign3A_12 = arith.subi %sign3A_8, %sign3A_11 : i32
    %ne3A = arith.cmpi ne, %sign3A_5, %sign3A_12 : i32
    %rem3A = arith.remsi %arg0, %jit3A : i32
    %ne3A_13 = arith.constant 0 : i32
    %ne3A_14 = arith.cmpi ne, %rem3A, %ne3A_13 : i32
    %and3A = arith.andi %ne3A, %ne3A_14 : i1
    %sub3A = arith.constant 1 : i32
    %sub3A_15 = arith.subi %div3A, %sub3A : i32
    %select_n3A = arith.select %and3A, %sub3A_15, %div3A : i32
    %jit3A_16 = arith.constant 8 : i32
    %eq3A = arith.constant 0 : i32
    %eq3A_17 = arith.cmpi eq, %jit3A_16, %eq3A : i32
    %jit3A_18 = arith.constant 1 : i32
    %select_n3A_19 = arith.select %eq3A_17, %jit3A_18, %jit3A_16 : i32
    %rem3A_20 = arith.remsi %arg0, %select_n3A_19 : i32
    %ne3A_21 = arith.constant 0 : i32
    %ne3A_22 = arith.cmpi ne, %rem3A_20, %ne3A_21 : i32
    %lt3A = arith.constant 0 : i32
    %lt3A_23 = arith.cmpi slt, %rem3A_20, %lt3A : i32
    %lt3A_24 = arith.constant 0 : i32
    %lt3A_25 = arith.cmpi slt, %select_n3A_19, %lt3A_24 : i32
    %ne3A_26 = arith.xori %lt3A_23, %lt3A_25 : i1
    %and3A_27 = arith.andi %ne3A_26, %ne3A_22 : i1
    %add3A = arith.addi %rem3A_20, %select_n3A_19 : i32
    %select_n3A_28 = arith.select %and3A_27, %add3A, %rem3A_20 : i32
    %c0_i32 = arith.constant 0 : i32
    %c0_i32_29 = arith.constant 0 : i32
    return %select_n3A, %c0_i32, %select_n3A_28 : i32, i32, i32
  }
  func.func @transform_2(%arg0: i32) -> (i32, i32) {
    %c0_i32 = arith.constant 0 : i32
    %c0_i32_0 = arith.constant 0 : i32
    %c0_i32_1 = arith.constant 0 : i32
    return %c0_i32, %c0_i32_0 : i32, i32
  }
  func.func @transform_3(%arg0: i32) -> (i32, i32) {
    %c0_i32 = arith.constant 0 : i32
    %c0_i32_0 = arith.constant 0 : i32
    %c0_i32_1 = arith.constant 0 : i32
    return %c0_i32, %c0_i32_0 : i32, i32
  }
  func.func @transform_4(%arg0: i32) -> (i32, i32) {
    %c0_i32 = arith.constant 0 : i32
    %c0_i32_0 = arith.constant 0 : i32
    return %arg0, %c0_i32 : i32, i32
  }
}

module attributes {stable_mosaic.version = 14 : i64} {
  func.func @_stats_body(%arg0: i32, %arg1: memref<1024x128xf32, #tpu.memory_space<vmem>>, %arg2: memref<1x32x3xf32, #tpu.memory_space<vmem>>, %arg3: memref<3x128xf32, #tpu.memory_space<vmem>>, %arg4: memref<1x128xf32, #tpu.memory_space<vmem>>, %arg5: memref<1x128xf32, #tpu.memory_space<vmem>>, %arg6: memref<2x128xf32, #tpu.memory_space<vmem>>, %arg7: memref<2x128xf32, #tpu.memory_space<vmem>>) attributes {dimension_semantics = [#tpu.dimension_semantics<arbitrary>], iteration_bounds = array<i64: 64>, scalar_prefetch = 0 : i64, scratch_operands = 1 : i64, tpu.core_type = #tpu.core_type<tc>, window_params = [{transform_indices = @transform_0, window_bounds = array<i64: 1024, 128>}, {transform_indices = @transform_1, window_bounds = array<i64: 1, 32, 3>}, {pipeline_mode = #tpu.pipeline_mode<synchronous>, transform_indices = @transform_2, window_bounds = array<i64: 3, 128>}, {pipeline_mode = #tpu.pipeline_mode<synchronous>, transform_indices = @transform_3, window_bounds = array<i64: 1, 128>}, {pipeline_mode = #tpu.pipeline_mode<synchronous>, transform_indices = @transform_4, window_bounds = array<i64: 1, 128>}, {pipeline_mode = #tpu.pipeline_mode<synchronous>, transform_indices = @transform_5, window_bounds = array<i64: 2, 128>}]} {
    %eq3A = arith.constant 0 : i32
    %eq3A_0 = arith.cmpi eq, %arg0, %eq3A : i32
    %convert_element_type3A = arith.extui %eq3A_0 : i1 to i32
    %cond3A = arith.constant 0 : i32
    %cond3A_1 = arith.cmpi ne, %convert_element_type3A, %cond3A : i32
    scf.if %cond3A_1 {
      %broadcast_in_dim3A_37 = arith.constant 0.000000e+00 : f32
      %broadcast_in_dim3A_38 = vector.broadcast %broadcast_in_dim3A_37 : f32 to vector<2x128xf32>
      %swap3A_39 = arith.constant 0 : index
      %swap3A_40 = arith.constant 0 : index
      %swap3A_41 = vector.load %arg7[%swap3A_39, %swap3A_40] : memref<2x128xf32, #tpu.memory_space<vmem>>, vector<2x128xf32>
      tpu.vector_store %arg7[%swap3A_39, %swap3A_40], %broadcast_in_dim3A_38 {strides = array<i32>} : memref<2x128xf32, #tpu.memory_space<vmem>>, vector<2x128xf32>,
    } else {
    }
    %get3A = arith.constant 0 : index
    %get3A_2 = arith.constant 0 : index
    %get3A_3 = vector.load %arg1[%get3A, %get3A_2] : memref<1024x128xf32, #tpu.memory_space<vmem>>, vector<1024x128xf32>
    %reshape3A = vector.shape_cast %get3A_3 : vector<1024x128xf32> to vector<32x32x128xf32>
    %get3A_4 = arith.constant 0 : index
    %get3A_5 = arith.constant 0 : index
    %get3A_6 = arith.constant 0 : index
    %get3A_7 = vector.load %arg2[%get3A_4, %get3A_5, %get3A_6] : memref<1x32x3xf32, #tpu.memory_space<vmem>>, vector<1x32x3xf32>
    %get3A_8 = vector.shape_cast %get3A_7 : vector<1x32x3xf32> to vector<32x3xf32>
    %get3A_9 = arith.constant 0 : index
    %get3A_10 = arith.constant 0 : index
    %get3A_11 = vector.load %arg3[%get3A_9, %get3A_10] : memref<3x128xf32, #tpu.memory_space<vmem>>, vector<3x128xf32>
    %dot_general3A = arith.constant dense<0.000000e+00> : vector<32x128xf32>
    %dot_general3A_12 = tpu.matmul %get3A_8, %get3A_11, %dot_general3A {dimension_numbers = #tpu.dot_dimension_numbers<[1], [0], [0], [1], [0, 0, 1, 1], [], []>, transpose_lhs_hint = false} : vector<32x3xf32>, vector<3x128xf32>, vector<32x128xf32> -> vector<32x128xf32>
    %broadcast_in_dim3A = vector.shape_cast %dot_general3A_12 : vector<32x128xf32> to vector<32x1x128xf32>
    %sub3A = vector.broadcast %broadcast_in_dim3A : vector<32x1x128xf32> to vector<32x32x128xf32>
    %sub3A_13 = arith.subf %reshape3A, %sub3A : vector<32x32x128xf32>
    %get3A_14 = arith.constant 0 : index
    %get3A_15 = arith.constant 0 : index
    %get3A_16 = vector.load %arg7[%get3A_14, %get3A_15] : memref<2x128xf32, #tpu.memory_space<vmem>>, vector<1x128xf32>
    %reduce_sum3A = arith.constant dense<0.000000e+00> : vector<128xf32>
    %reduce_sum3A_17 = vector.multi_reduction <add>, %sub3A_13, %reduce_sum3A [0, 1] : vector<32x32x128xf32> to vector<128xf32>
    %reshape3A_18 = vector.shape_cast %reduce_sum3A_17 : vector<128xf32> to vector<1x128xf32>
    %add3A = arith.addf %get3A_16, %reshape3A_18 : vector<1x128xf32>
    %swap3A = arith.constant 0 : index
    %swap3A_19 = arith.constant 0 : index
    %swap3A_20 = vector.load %arg7[%swap3A, %swap3A_19] : memref<2x128xf32, #tpu.memory_space<vmem>>, vector<1x128xf32>
    tpu.vector_store %arg7[%swap3A, %swap3A_19], %add3A {strides = array<i32>} : memref<2x128xf32, #tpu.memory_space<vmem>>, vector<1x128xf32>,
    %get3A_21 = arith.constant 1 : index
    %get3A_22 = arith.constant 0 : index
    %get3A_23 = vector.load %arg7[%get3A_21, %get3A_22] : memref<2x128xf32, #tpu.memory_space<vmem>>, vector<1x128xf32>
    %mul3A = arith.mulf %sub3A_13, %sub3A_13 : vector<32x32x128xf32>
    %reduce_sum3A_24 = arith.constant dense<0.000000e+00> : vector<128xf32>
    %reduce_sum3A_25 = vector.multi_reduction <add>, %mul3A, %reduce_sum3A_24 [0, 1] : vector<32x32x128xf32> to vector<128xf32>
    %reshape3A_26 = vector.shape_cast %reduce_sum3A_25 : vector<128xf32> to vector<1x128xf32>
    %add3A_27 = arith.addf %get3A_23, %reshape3A_26 : vector<1x128xf32>
    %swap3A_28 = arith.constant 1 : index
    %swap3A_29 = arith.constant 0 : index
    %swap3A_30 = vector.load %arg7[%swap3A_28, %swap3A_29] : memref<2x128xf32, #tpu.memory_space<vmem>>, vector<1x128xf32>
    tpu.vector_store %arg7[%swap3A_28, %swap3A_29], %add3A_27 {strides = array<i32>} : memref<2x128xf32, #tpu.memory_space<vmem>>, vector<1x128xf32>,
    %eq3A_31 = arith.constant 63 : i32
    %eq3A_32 = arith.cmpi eq, %arg0, %eq3A_31 : i32
    %convert_element_type3A_33 = arith.extui %eq3A_32 : i1 to i32
    %cond3A_34 = arith.constant 6.553600e+04 : f32
    %cond3A_35 = arith.constant 0 : i32
    %cond3A_36 = arith.cmpi ne, %convert_element_type3A_33, %cond3A_35 : i32
    scf.if %cond3A_36 {
      %get3A_37 = arith.constant 0 : index
      %get3A_38 = arith.constant 0 : index
      %get3A_39 = vector.load %arg7[%get3A_37, %get3A_38] : memref<2x128xf32, #tpu.memory_space<vmem>>, vector<1x128xf32>
      %div3A = vector.broadcast %cond3A_34 : f32 to vector<1x128xf32>
      %div3A_40 = arith.divf %get3A_39, %div3A : vector<1x128xf32>
      %get3A_41 = arith.constant 1 : index
      %get3A_42 = arith.constant 0 : index
      %get3A_43 = vector.load %arg7[%get3A_41, %get3A_42] : memref<2x128xf32, #tpu.memory_space<vmem>>, vector<1x128xf32>
      %div3A_44 = vector.broadcast %cond3A_34 : f32 to vector<1x128xf32>
      %div3A_45 = arith.divf %get3A_43, %div3A_44 : vector<1x128xf32>
      %mul3A_46 = arith.mulf %div3A_40, %div3A_40 : vector<1x128xf32>
      %sub3A_47 = arith.subf %div3A_45, %mul3A_46 : vector<1x128xf32>
      %add3A_48 = arith.constant 9.99999974E-6 : f32
      %add3A_49 = vector.broadcast %add3A_48 : f32 to vector<1x128xf32>
      %add3A_50 = arith.addf %sub3A_47, %add3A_49 : vector<1x128xf32>
      %rsqrt3A = math.rsqrt %add3A_50 : vector<1x128xf32>
      %get3A_51 = arith.constant 0 : index
      %get3A_52 = arith.constant 0 : index
      %get3A_53 = vector.load %arg4[%get3A_51, %get3A_52] : memref<1x128xf32, #tpu.memory_space<vmem>>, vector<1x128xf32>
      %mul3A_54 = arith.mulf %rsqrt3A, %get3A_53 : vector<1x128xf32>
      %swap3A_55 = arith.constant 0 : index
      %swap3A_56 = arith.constant 0 : index
      %swap3A_57 = vector.load %arg6[%swap3A_55, %swap3A_56] : memref<2x128xf32, #tpu.memory_space<vmem>>, vector<1x128xf32>
      tpu.vector_store %arg6[%swap3A_55, %swap3A_56], %mul3A_54 {strides = array<i32>} : memref<2x128xf32, #tpu.memory_space<vmem>>, vector<1x128xf32>,
      %get3A_58 = arith.constant 0 : index
      %get3A_59 = arith.constant 0 : index
      %get3A_60 = vector.load %arg5[%get3A_58, %get3A_59] : memref<1x128xf32, #tpu.memory_space<vmem>>, vector<1x128xf32>
      %mul3A_61 = arith.mulf %div3A_40, %mul3A_54 : vector<1x128xf32>
      %sub3A_62 = arith.subf %get3A_60, %mul3A_61 : vector<1x128xf32>
      %swap3A_63 = arith.constant 1 : index
      %swap3A_64 = arith.constant 0 : index
      %swap3A_65 = vector.load %arg6[%swap3A_63, %swap3A_64] : memref<2x128xf32, #tpu.memory_space<vmem>>, vector<1x128xf32>
      tpu.vector_store %arg6[%swap3A_63, %swap3A_64], %sub3A_62 {strides = array<i32>} : memref<2x128xf32, #tpu.memory_space<vmem>>, vector<1x128xf32>,
    } else {
    }
    return
  }
  func.func @transform_0(%arg0: i32) -> (i32, i32) {
    %c0_i32 = arith.constant 0 : i32
    %c0_i32_0 = arith.constant 0 : i32
    return %arg0, %c0_i32 : i32, i32
  }
  func.func @transform_1(%arg0: i32) -> (i32, i32, i32) {
    %jit3A = arith.constant 32 : i32
    %div3A = arith.divsi %arg0, %jit3A : i32
    %sign3A = arith.constant 0 : i32
    %sign3A_0 = arith.cmpi sgt, %arg0, %sign3A : i32
    %sign3A_1 = arith.extui %sign3A_0 : i1 to i32
    %sign3A_2 = arith.constant 0 : i32
    %sign3A_3 = arith.cmpi slt, %arg0, %sign3A_2 : i32
    %sign3A_4 = arith.extui %sign3A_3 : i1 to i32
    %sign3A_5 = arith.subi %sign3A_1, %sign3A_4 : i32
    %sign3A_6 = arith.constant 0 : i32
    %sign3A_7 = arith.cmpi sgt, %jit3A, %sign3A_6 : i32
    %sign3A_8 = arith.extui %sign3A_7 : i1 to i32
    %sign3A_9 = arith.constant 0 : i32
    %sign3A_10 = arith.cmpi slt, %jit3A, %sign3A_9 : i32
    %sign3A_11 = arith.extui %sign3A_10 : i1 to i32
    %sign3A_12 = arith.subi %sign3A_8, %sign3A_11 : i32
    %ne3A = arith.cmpi ne, %sign3A_5, %sign3A_12 : i32
    %rem3A = arith.remsi %arg0, %jit3A : i32
    %ne3A_13 = arith.constant 0 : i32
    %ne3A_14 = arith.cmpi ne, %rem3A, %ne3A_13 : i32
    %and3A = arith.andi %ne3A, %ne3A_14 : i1
    %sub3A = arith.constant 1 : i32
    %sub3A_15 = arith.subi %div3A, %sub3A : i32
    %select_n3A = arith.select %and3A, %sub3A_15, %div3A : i32
    %jit3A_16 = arith.constant 32 : i32
    %eq3A = arith.constant 0 : i32
    %eq3A_17 = arith.cmpi eq, %jit3A_16, %eq3A : i32
    %jit3A_18 = arith.constant 1 : i32
    %select_n3A_19 = arith.select %eq3A_17, %jit3A_18, %jit3A_16 : i32
    %rem3A_20 = arith.remsi %arg0, %select_n3A_19 : i32
    %ne3A_21 = arith.constant 0 : i32
    %ne3A_22 = arith.cmpi ne, %rem3A_20, %ne3A_21 : i32
    %lt3A = arith.constant 0 : i32
    %lt3A_23 = arith.cmpi slt, %rem3A_20, %lt3A : i32
    %lt3A_24 = arith.constant 0 : i32
    %lt3A_25 = arith.cmpi slt, %select_n3A_19, %lt3A_24 : i32
    %ne3A_26 = arith.xori %lt3A_23, %lt3A_25 : i1
    %and3A_27 = arith.andi %ne3A_26, %ne3A_22 : i1
    %add3A = arith.addi %rem3A_20, %select_n3A_19 : i32
    %select_n3A_28 = arith.select %and3A_27, %add3A, %rem3A_20 : i32
    %c0_i32 = arith.constant 0 : i32
    %c0_i32_29 = arith.constant 0 : i32
    return %select_n3A, %select_n3A_28, %c0_i32 : i32, i32, i32
  }
  func.func @transform_2(%arg0: i32) -> (i32, i32) {
    %c0_i32 = arith.constant 0 : i32
    %c0_i32_0 = arith.constant 0 : i32
    %c0_i32_1 = arith.constant 0 : i32
    return %c0_i32, %c0_i32_0 : i32, i32
  }
  func.func @transform_3(%arg0: i32) -> (i32, i32) {
    %c0_i32 = arith.constant 0 : i32
    %c0_i32_0 = arith.constant 0 : i32
    %c0_i32_1 = arith.constant 0 : i32
    return %c0_i32, %c0_i32_0 : i32, i32
  }
  func.func @transform_4(%arg0: i32) -> (i32, i32) {
    %c0_i32 = arith.constant 0 : i32
    %c0_i32_0 = arith.constant 0 : i32
    %c0_i32_1 = arith.constant 0 : i32
    return %c0_i32, %c0_i32_0 : i32, i32
  }
  func.func @transform_5(%arg0: i32) -> (i32, i32) {
    %c0_i32 = arith.constant 0 : i32
    %c0_i32_0 = arith.constant 0 : i32
    %c0_i32_1 = arith.constant 0 : i32
    return %c0_i32, %c0_i32_0 : i32, i32
  }
}

module attributes {stable_mosaic.version = 14 : i64} {
  func.func @_main_body(%arg0: i32, %arg1: memref<1024x128xf32, #tpu.memory_space<vmem>>, %arg2: memref<1x32x3xf32, #tpu.memory_space<vmem>>, %arg3: memref<3x128xf32, #tpu.memory_space<vmem>>, %arg4: memref<128x256xf32, #tpu.memory_space<vmem>>, %arg5: memref<2x128xf32, #tpu.memory_space<vmem>>, %arg6: memref<1x256xf32, #tpu.memory_space<vmem>>, %arg7: memref<1x256xf32, #tpu.memory_space<vmem>>, %arg8: memref<2048x256xf32, #tpu.memory_space<vmem>>, %arg9: memref<2048x256xf32, #tpu.memory_space<vmem>>, %arg10: memref<2x256xf32, #tpu.memory_space<vmem>>) attributes {dimension_semantics = [#tpu.dimension_semantics<arbitrary>], iteration_bounds = array<i64: 64>, scalar_prefetch = 0 : i64, scratch_operands = 2 : i64, tpu.core_type = #tpu.core_type<tc>, window_params = [{transform_indices = @transform_0, window_bounds = array<i64: 1024, 128>}, {transform_indices = @transform_1, window_bounds = array<i64: 1, 32, 3>}, {pipeline_mode = #tpu.pipeline_mode<synchronous>, transform_indices = @transform_2, window_bounds = array<i64: 3, 128>}, {pipeline_mode = #tpu.pipeline_mode<synchronous>, transform_indices = @transform_3, window_bounds = array<i64: 128, 256>}, {pipeline_mode = #tpu.pipeline_mode<synchronous>, transform_indices = @transform_4, window_bounds = array<i64: 2, 128>}, {pipeline_mode = #tpu.pipeline_mode<synchronous>, transform_indices = @transform_5, window_bounds = array<i64: 1, 256>}, {pipeline_mode = #tpu.pipeline_mode<synchronous>, transform_indices = @transform_6, window_bounds = array<i64: 1, 256>}, {pipeline_mode = #tpu.pipeline_mode<synchronous>, transform_indices = @transform_7, window_bounds = array<i64: 2048, 256>}]} {
    %eq3A = arith.constant 0 : i32
    %eq3A_0 = arith.cmpi eq, %arg0, %eq3A : i32
    %convert_element_type3A = arith.extui %eq3A_0 : i1 to i32
    %cond3A = arith.constant 0 : i32
    %cond3A_1 = arith.cmpi ne, %convert_element_type3A, %cond3A : i32
    scf.if %cond3A_1 {
      %broadcast_in_dim3A_64 = arith.constant 0.000000e+00 : f32
      %broadcast_in_dim3A_65 = vector.broadcast %broadcast_in_dim3A_64 : f32 to vector<2x256xf32>
      %swap3A_66 = arith.constant 0 : index
      %swap3A_67 = arith.constant 0 : index
      %swap3A_68 = vector.load %arg10[%swap3A_66, %swap3A_67] : memref<2x256xf32, #tpu.memory_space<vmem>>, vector<2x256xf32>
      tpu.vector_store %arg10[%swap3A_66, %swap3A_67], %broadcast_in_dim3A_65 {strides = array<i32>} : memref<2x256xf32, #tpu.memory_space<vmem>>, vector<2x256xf32>,
    } else {
    }
    %get3A = arith.constant 0 : index
    %get3A_2 = arith.constant 0 : index
    %get3A_3 = vector.load %arg1[%get3A, %get3A_2] : memref<1024x128xf32, #tpu.memory_space<vmem>>, vector<1024x128xf32>
    %reshape3A = vector.shape_cast %get3A_3 : vector<1024x128xf32> to vector<32x32x128xf32>
    %get3A_4 = arith.constant 0 : index
    %get3A_5 = arith.constant 0 : index
    %get3A_6 = arith.constant 0 : index
    %get3A_7 = vector.load %arg2[%get3A_4, %get3A_5, %get3A_6] : memref<1x32x3xf32, #tpu.memory_space<vmem>>, vector<1x32x3xf32>
    %get3A_8 = vector.shape_cast %get3A_7 : vector<1x32x3xf32> to vector<32x3xf32>
    %get3A_9 = arith.constant 0 : index
    %get3A_10 = arith.constant 0 : index
    %get3A_11 = vector.load %arg3[%get3A_9, %get3A_10] : memref<3x128xf32, #tpu.memory_space<vmem>>, vector<3x128xf32>
    %dot_general3A = arith.constant dense<0.000000e+00> : vector<32x128xf32>
    %dot_general3A_12 = tpu.matmul %get3A_8, %get3A_11, %dot_general3A {dimension_numbers = #tpu.dot_dimension_numbers<[1], [0], [0], [1], [0, 0, 1, 1], [], []>, transpose_lhs_hint = false} : vector<32x3xf32>, vector<3x128xf32>, vector<32x128xf32> -> vector<32x128xf32>
    %broadcast_in_dim3A = vector.shape_cast %dot_general3A_12 : vector<32x128xf32> to vector<32x1x128xf32>
    %sub3A = vector.broadcast %broadcast_in_dim3A : vector<32x1x128xf32> to vector<32x32x128xf32>
    %sub3A_13 = arith.subf %reshape3A, %sub3A : vector<32x32x128xf32>
    %get3A_14 = arith.constant 0 : index
    %get3A_15 = arith.constant 0 : index
    %get3A_16 = vector.load %arg5[%get3A_14, %get3A_15] : memref<2x128xf32, #tpu.memory_space<vmem>>, vector<1x128xf32>
    %reshape3A_17 = vector.shape_cast %get3A_16 : vector<1x128xf32> to vector<1x1x128xf32>
    %mul3A = vector.broadcast %reshape3A_17 : vector<1x1x128xf32> to vector<32x32x128xf32>
    %mul3A_18 = arith.mulf %sub3A_13, %mul3A : vector<32x32x128xf32>
    %get3A_19 = arith.constant 1 : index
    %get3A_20 = arith.constant 0 : index
    %get3A_21 = vector.load %arg5[%get3A_19, %get3A_20] : memref<2x128xf32, #tpu.memory_space<vmem>>, vector<1x128xf32>
    %reshape3A_22 = vector.shape_cast %get3A_21 : vector<1x128xf32> to vector<1x1x128xf32>
    %add3A = vector.broadcast %reshape3A_22 : vector<1x1x128xf32> to vector<32x32x128xf32>
    %add3A_23 = arith.addf %mul3A_18, %add3A : vector<32x32x128xf32>
    %max3A = arith.constant 0.000000e+00 : f32
    %max3A_24 = vector.broadcast %max3A : f32 to vector<32x32x128xf32>
    %max3A_25 = arith.maximumf %add3A_23, %max3A_24 : vector<32x32x128xf32>
    %reshape3A_26 = vector.shape_cast %max3A_25 : vector<32x32x128xf32> to vector<1024x128xf32>
    %get3A_27 = arith.constant 0 : index
    %get3A_28 = arith.constant 0 : index
    %get3A_29 = vector.load %arg4[%get3A_27, %get3A_28] : memref<128x256xf32, #tpu.memory_space<vmem>>, vector<128x256xf32>
    %dot_general3A_30 = arith.constant dense<0.000000e+00> : vector<1024x256xf32>
    %dot_general3A_31 = tpu.matmul %reshape3A_26, %get3A_29, %dot_general3A_30 {dimension_numbers = #tpu.dot_dimension_numbers<[1], [0], [0], [1], [0, 0, 1, 1], [], []>, transpose_lhs_hint = false} : vector<1024x128xf32>, vector<128x256xf32>, vector<1024x256xf32> -> vector<1024x256xf32>
    %get3A_32 = arith.constant 0 : index
    %get3A_33 = arith.constant 0 : index
    %get3A_34 = vector.load %arg10[%get3A_32, %get3A_33] : memref<2x256xf32, #tpu.memory_space<vmem>>, vector<1x256xf32>
    %reduce_sum3A = arith.constant dense<0.000000e+00> : vector<256xf32>
    %reduce_sum3A_35 = vector.multi_reduction <add>, %dot_general3A_31, %reduce_sum3A [0] : vector<1024x256xf32> to vector<256xf32>
    %broadcast_in_dim3A_36 = vector.shape_cast %reduce_sum3A_35 : vector<256xf32> to vector<1x256xf32>
    %add3A_37 = arith.addf %get3A_34, %broadcast_in_dim3A_36 : vector<1x256xf32>
    %swap3A = arith.constant 0 : index
    %swap3A_38 = arith.constant 0 : index
    %swap3A_39 = vector.load %arg10[%swap3A, %swap3A_38] : memref<2x256xf32, #tpu.memory_space<vmem>>, vector<1x256xf32>
    tpu.vector_store %arg10[%swap3A, %swap3A_38], %add3A_37 {strides = array<i32>} : memref<2x256xf32, #tpu.memory_space<vmem>>, vector<1x256xf32>,
    %get3A_40 = arith.constant 1 : index
    %get3A_41 = arith.constant 0 : index
    %get3A_42 = vector.load %arg10[%get3A_40, %get3A_41] : memref<2x256xf32, #tpu.memory_space<vmem>>, vector<1x256xf32>
    %mul3A_43 = arith.mulf %dot_general3A_31, %dot_general3A_31 : vector<1024x256xf32>
    %reduce_sum3A_44 = arith.constant dense<0.000000e+00> : vector<256xf32>
    %reduce_sum3A_45 = vector.multi_reduction <add>, %mul3A_43, %reduce_sum3A_44 [0] : vector<1024x256xf32> to vector<256xf32>
    %broadcast_in_dim3A_46 = vector.shape_cast %reduce_sum3A_45 : vector<256xf32> to vector<1x256xf32>
    %add3A_47 = arith.addf %get3A_42, %broadcast_in_dim3A_46 : vector<1x256xf32>
    %swap3A_48 = arith.constant 1 : index
    %swap3A_49 = arith.constant 0 : index
    %swap3A_50 = vector.load %arg10[%swap3A_48, %swap3A_49] : memref<2x256xf32, #tpu.memory_space<vmem>>, vector<1x256xf32>
    tpu.vector_store %arg10[%swap3A_48, %swap3A_49], %add3A_47 {strides = array<i32>} : memref<2x256xf32, #tpu.memory_space<vmem>>, vector<1x256xf32>,
    %reshape3A_51 = vector.shape_cast %dot_general3A_31 : vector<1024x256xf32> to vector<32x32x256xf32>
    %reduce_max3A = arith.constant dense<0xFF800000> : vector<32x256xf32>
    %reduce_max3A_52 = vector.multi_reduction <maximumf>, %reshape3A_51, %reduce_max3A [1] : vector<32x32x256xf32> to vector<32x256xf32>
    %mul3A_53 = arith.constant 32 : i32
    %mul3A_54 = arith.muli %arg0, %mul3A_53 : i32
    %swap3A_55 = arith.index_cast %mul3A_54 : i32 to index
    %swap3A_56 = arith.constant 0 : index
    %swap3A_57 = vector.load %arg9[%swap3A_55, %swap3A_56] : memref<2048x256xf32, #tpu.memory_space<vmem>>, vector<32x256xf32>
    tpu.vector_store %arg9[%swap3A_55, %swap3A_56], %reduce_max3A_52 {strides = array<i32>} : memref<2048x256xf32, #tpu.memory_space<vmem>>, vector<32x256xf32>,
    %eq3A_58 = arith.constant 63 : i32
    %eq3A_59 = arith.cmpi eq, %arg0, %eq3A_58 : i32
    %convert_element_type3A_60 = arith.extui %eq3A_59 : i1 to i32
    %cond3A_61 = arith.constant 6.553600e+04 : f32
    %cond3A_62 = arith.constant 0 : i32
    %cond3A_63 = arith.cmpi ne, %convert_element_type3A_60, %cond3A_62 : i32
    scf.if %cond3A_63 {
      %get3A_64 = arith.constant 0 : index
      %get3A_65 = arith.constant 0 : index
      %get3A_66 = vector.load %arg10[%get3A_64, %get3A_65] : memref<2x256xf32, #tpu.memory_space<vmem>>, vector<1x256xf32>
      %div3A = vector.broadcast %cond3A_61 : f32 to vector<1x256xf32>
      %div3A_67 = arith.divf %get3A_66, %div3A : vector<1x256xf32>
      %get3A_68 = arith.constant 1 : index
      %get3A_69 = arith.constant 0 : index
      %get3A_70 = vector.load %arg10[%get3A_68, %get3A_69] : memref<2x256xf32, #tpu.memory_space<vmem>>, vector<1x256xf32>
      %div3A_71 = vector.broadcast %cond3A_61 : f32 to vector<1x256xf32>
      %div3A_72 = arith.divf %get3A_70, %div3A_71 : vector<1x256xf32>
      %mul3A_73 = arith.mulf %div3A_67, %div3A_67 : vector<1x256xf32>
      %sub3A_74 = arith.subf %div3A_72, %mul3A_73 : vector<1x256xf32>
      %add3A_75 = arith.constant 9.99999974E-6 : f32
      %add3A_76 = vector.broadcast %add3A_75 : f32 to vector<1x256xf32>
      %add3A_77 = arith.addf %sub3A_74, %add3A_76 : vector<1x256xf32>
      %rsqrt3A = math.rsqrt %add3A_77 : vector<1x256xf32>
      %get3A_78 = arith.constant 0 : index
      %get3A_79 = arith.constant 0 : index
      %get3A_80 = vector.load %arg6[%get3A_78, %get3A_79] : memref<1x256xf32, #tpu.memory_space<vmem>>, vector<1x256xf32>
      %mul3A_81 = arith.mulf %rsqrt3A, %get3A_80 : vector<1x256xf32>
      %get3A_82 = arith.constant 0 : index
      %get3A_83 = arith.constant 0 : index
      %get3A_84 = vector.load %arg7[%get3A_82, %get3A_83] : memref<1x256xf32, #tpu.memory_space<vmem>>, vector<1x256xf32>
      %mul3A_85 = arith.mulf %div3A_67, %mul3A_81 : vector<1x256xf32>
      %sub3A_86 = arith.subf %get3A_84, %mul3A_85 : vector<1x256xf32>
      %get3A_87 = arith.constant 0 : index
      %get3A_88 = arith.constant 0 : index
      %get3A_89 = vector.load %arg9[%get3A_87, %get3A_88] : memref<2048x256xf32, #tpu.memory_space<vmem>>, vector<2048x256xf32>
      %mul3A_90 = vector.broadcast %mul3A_81 : vector<1x256xf32> to vector<2048x256xf32>
      %mul3A_91 = arith.mulf %get3A_89, %mul3A_90 : vector<2048x256xf32>
      %add3A_92 = vector.broadcast %sub3A_86 : vector<1x256xf32> to vector<2048x256xf32>
      %add3A_93 = arith.addf %mul3A_91, %add3A_92 : vector<2048x256xf32>
      %max3A_94 = arith.constant 0.000000e+00 : f32
      %max3A_95 = vector.broadcast %max3A_94 : f32 to vector<2048x256xf32>
      %max3A_96 = arith.maximumf %add3A_93, %max3A_95 : vector<2048x256xf32>
      %swap3A_97 = arith.constant 0 : index
      %swap3A_98 = arith.constant 0 : index
      %swap3A_99 = vector.load %arg8[%swap3A_97, %swap3A_98] : memref<2048x256xf32, #tpu.memory_space<vmem>>, vector<2048x256xf32>
      tpu.vector_store %arg8[%swap3A_97, %swap3A_98], %max3A_96 {strides = array<i32>} : memref<2048x256xf32, #tpu.memory_space<vmem>>, vector<2048x256xf32>,
    } else {
    }
    return
  }
  func.func @transform_0(%arg0: i32) -> (i32, i32) {
    %c0_i32 = arith.constant 0 : i32
    %c0_i32_0 = arith.constant 0 : i32
    return %arg0, %c0_i32 : i32, i32
  }
  func.func @transform_1(%arg0: i32) -> (i32, i32, i32) {
    %jit3A = arith.constant 32 : i32
    %div3A = arith.divsi %arg0, %jit3A : i32
    %sign3A = arith.constant 0 : i32
    %sign3A_0 = arith.cmpi sgt, %arg0, %sign3A : i32
    %sign3A_1 = arith.extui %sign3A_0 : i1 to i32
    %sign3A_2 = arith.constant 0 : i32
    %sign3A_3 = arith.cmpi slt, %arg0, %sign3A_2 : i32
    %sign3A_4 = arith.extui %sign3A_3 : i1 to i32
    %sign3A_5 = arith.subi %sign3A_1, %sign3A_4 : i32
    %sign3A_6 = arith.constant 0 : i32
    %sign3A_7 = arith.cmpi sgt, %jit3A, %sign3A_6 : i32
    %sign3A_8 = arith.extui %sign3A_7 : i1 to i32
    %sign3A_9 = arith.constant 0 : i32
    %sign3A_10 = arith.cmpi slt, %jit3A, %sign3A_9 : i32
    %sign3A_11 = arith.extui %sign3A_10 : i1 to i32
    %sign3A_12 = arith.subi %sign3A_8, %sign3A_11 : i32
    %ne3A = arith.cmpi ne, %sign3A_5, %sign3A_12 : i32
    %rem3A = arith.remsi %arg0, %jit3A : i32
    %ne3A_13 = arith.constant 0 : i32
    %ne3A_14 = arith.cmpi ne, %rem3A, %ne3A_13 : i32
    %and3A = arith.andi %ne3A, %ne3A_14 : i1
    %sub3A = arith.constant 1 : i32
    %sub3A_15 = arith.subi %div3A, %sub3A : i32
    %select_n3A = arith.select %and3A, %sub3A_15, %div3A : i32
    %jit3A_16 = arith.constant 32 : i32
    %eq3A = arith.constant 0 : i32
    %eq3A_17 = arith.cmpi eq, %jit3A_16, %eq3A : i32
    %jit3A_18 = arith.constant 1 : i32
    %select_n3A_19 = arith.select %eq3A_17, %jit3A_18, %jit3A_16 : i32
    %rem3A_20 = arith.remsi %arg0, %select_n3A_19 : i32
    %ne3A_21 = arith.constant 0 : i32
    %ne3A_22 = arith.cmpi ne, %rem3A_20, %ne3A_21 : i32
    %lt3A = arith.constant 0 : i32
    %lt3A_23 = arith.cmpi slt, %rem3A_20, %lt3A : i32
    %lt3A_24 = arith.constant 0 : i32
    %lt3A_25 = arith.cmpi slt, %select_n3A_19, %lt3A_24 : i32
    %ne3A_26 = arith.xori %lt3A_23, %lt3A_25 : i1
    %and3A_27 = arith.andi %ne3A_26, %ne3A_22 : i1
    %add3A = arith.addi %rem3A_20, %select_n3A_19 : i32
    %select_n3A_28 = arith.select %and3A_27, %add3A, %rem3A_20 : i32
    %c0_i32 = arith.constant 0 : i32
    %c0_i32_29 = arith.constant 0 : i32
    return %select_n3A, %select_n3A_28, %c0_i32 : i32, i32, i32
  }
  func.func @transform_2(%arg0: i32) -> (i32, i32) {
    %c0_i32 = arith.constant 0 : i32
    %c0_i32_0 = arith.constant 0 : i32
    %c0_i32_1 = arith.constant 0 : i32
    return %c0_i32, %c0_i32_0 : i32, i32
  }
  func.func @transform_3(%arg0: i32) -> (i32, i32) {
    %c0_i32 = arith.constant 0 : i32
    %c0_i32_0 = arith.constant 0 : i32
    %c0_i32_1 = arith.constant 0 : i32
    return %c0_i32, %c0_i32_0 : i32, i32
  }
  func.func @transform_4(%arg0: i32) -> (i32, i32) {
    %c0_i32 = arith.constant 0 : i32
    %c0_i32_0 = arith.constant 0 : i32
    %c0_i32_1 = arith.constant 0 : i32
    return %c0_i32, %c0_i32_0 : i32, i32
  }
  func.func @transform_5(%arg0: i32) -> (i32, i32) {
    %c0_i32 = arith.constant 0 : i32
    %c0_i32_0 = arith.constant 0 : i32
    %c0_i32_1 = arith.constant 0 : i32
    return %c0_i32, %c0_i32_0 : i32, i32
  }
  func.func @transform_6(%arg0: i32) -> (i32, i32) {
    %c0_i32 = arith.constant 0 : i32
    %c0_i32_0 = arith.constant 0 : i32
    %c0_i32_1 = arith.constant 0 : i32
    return %c0_i32, %c0_i32_0 : i32, i32
  }
  func.func @transform_7(%arg0: i32) -> (i32, i32) {
    %c0_i32 = arith.constant 0 : i32
    %c0_i32_0 = arith.constant 0 : i32
    %c0_i32_1 = arith.constant 0 : i32
    return %c0_i32, %c0_i32_0 : i32, i32
  }
}

</mosaic_0001>

<sc_bundles>
// kernel: kernel.6.cloned.1.call-start
scs
__scs_entry_jumppad:
0x0: {  	(pc) =	sbr.rel $0x88, $3  }
0x1: {  	(tag) =	ssettag $0x0;
	lr =	simm.s32 $0x1  }
0x2: {  	[smem:$0x3F99] =	sst lr;
	_ =	strace $0xD0000000  }
0x3: {  	_ = 	snop  }
0x4: {  	_ = 	snop  }
0x5: {  	_ = 	snop  }
0x6: {  	_ = 	snop  }
0x7: {  	_ = 	snop  }
__scs_overlays_trampoline_lowered:
0x8: {  	[smem:$0x3FA8] =	sst s0  }
0x9: {  	[smem:$0x3FA9] =	sst s1  }
0xa: {  	[smem:$0x3FAA] =	sst s2  }
0xb: {  	[smem:$0x3FAB] =	sst s3  }
0xc: {  	[smem:$0x3FAC] =	sst s4  }
0xd: {  	[smem:$0x3FAD] =	sst s5  }
0xe: {  	[smem:$0x3FAE] =	sst s6  }
0xf: {  	[smem:$0x3FAF] =	sst s7  }
0x10: {  	[smem:$0x3FB0] =	sst s8  }
0x11: {  	[smem:$0x3FB1] =	sst s9;
	s0 =	simm.s32 @!p0 $0x0  }
0x12: {  	s1 =	sld [smem:$0x3F97];
	s0 =	simm.s32 @p0 $0x1  }
0x13: {  	[smem:$0x3FB2] =	sst s0;
	s0 =	simm.s32 @!p1 $0x0  }
0x14: {  	s2 =	sld [smem:$0x3F96];
	s0 =	simm.s32 @p1 $0x1  }
0x15: {  	[smem:$0x3FB3] =	sst s0;
	s0 =	simm.s32 @!p2 $0x0  }
0x16: {  	s3 =	sld [smem:$0x3FDB];
	s0 =	simm.s32 @p2 $0x1  }
0x17: {  	s4 =	simm.s32 $0x1BF5;
	[smem:$0x3FB5] =	sst s0  }
0x18: {  	s0 =	sld [smem:$0x3F98];
	_ =	swait.ge [sflag:s4], $0x0  }
0x19: {  	s7 =	sld [smem:$0x3F99]  }
0x1a: {  	s8 =	sadd.s32 $0xFFFFE003, lr  }
0x1b: {  	s9 =	sadd.s32 $0xFFFFFEF7, lr;
	s5 =	simm.s32 $0xFFFFFFFF;
	p2 =	slt.u32 s8, $0xFFFFF086  }
0x1c: {  	p1 =	slt.u32 s9, $0xF7A;
	s5 =	simm.s32 @!p2 $0x0  }
0x1d: {  	s5 =	simm.s32 @p1 $0x1;
	p0 =	seq.s32 s7, s2  }
0x1e: {  	s7 =	smul.u32 @!p0 $0xF7A, s2;
	p2 =	seq.s32 @!p0 s5, $0x0  }
0x1f: {  	s9 =	smul.u32 $0xF7A, s1;
	s8 =	simm.s32 @!p0 $0x1BF5;
	p2 =	por !p2, p0  }
0x20: {  	[sflag:s8] =	ssyncset.s32 @!p0 $0xFFFFF086;
	s6 =	sadd.s32 @!p0 s3, s7;
	s7 =	simm.s32 @!p0 $0x108  }
0x21: {  	s3 =	sadd.s32 s3, s9;
	s6 =	sadd.s32 @!p0 $0x88, s6;
	s7 =	simm.s32 @p2 $0x1082  }
0x22: {  	[simem:s7], [sflag:s8] =	dma.local @!p0 [hbm:s6], $0xF7A  }
0x23: {  	s9 =	sor.u32 $0xD0000000, s2;
	s6 =	simm.s32 $0x108;
	_ =	swait.ge @!p0 [sflag:s8], $0x0  }
0x24: {  	s3 =	sadd.s32 $0x88, s3;
	s6 =	simm.s32 @!p1 $0x1082;
	[sflag:s4] =	ssyncset.s32 $0xFFFFF086  }
0x25: {  	[simem:s6], [sflag:s4] =	dma.local [hbm:s3], $0xF7A  }
0x26: {  	[smem:$0x3F99] =	sst s1;
	(tag) =	ssettag s2;
	_ =	strace s9  }
0x27: {  	s1 =	sld [smem:$0x3FA9]  }
0x28: {  	s2 =	sld [smem:$0x3FAA]  }
0x29: {  	s4 =	sld [smem:$0x3FAC]  }
0x2a: {  	p0 =	seq.s32 s5, $0x0;
	s5 =	sld [smem:$0x3FAD]  }
0x2b: {  	s6 =	sld [smem:$0x3FAE]  }
0x2c: {  	s7 =	sld [smem:$0x3FAF]  }
0x2d: {  	s3 =	simm.s32 $0x108;
	s8 =	sld [smem:$0x3FB0]  }
0x2e: {  	s3 =	simm.s32 @!p0 $0x1082;
	s9 =	sld [smem:$0x3FB1]  }
0x2f: {  	lr =	sadd.s32 s0, s3;
	s0 =	sld [smem:$0x3FA8]  }
0x30: {  	s3 =	sld [smem:$0x3FAB]  }
0x31: {  	[smem:$0x3FB4] =	sst s10  }
0x32: {  	s10 =	sld [smem:$0x3FB2];
	_ =	sdelay $0x3  }
0x33: {  	p0 =	seq.s32 s10, $0x1;
	s10 =	sld [smem:$0x3FB4];
	_ =	sdelay $0x3  }
0x34: {  	[smem:$0x3FB4] =	sst s10  }
0x35: {  	s10 =	sld [smem:$0x3FB3];
	_ =	sdelay $0x3  }
0x36: {  	p1 =	seq.s32 s10, $0x1;
	s10 =	sld [smem:$0x3FB4];
	_ =	sdelay $0x3  }
0x37: {  	[smem:$0x3FB4] =	sst s10  }
0x38: {  	s10 =	sld [smem:$0x3FB5]  }
0x39: {  	_ = 	snop;
	(pc) =	sbr.ind lr, $3  }
0x3a: {  	_ = 	snop  }
0x3b: {  	_ = 	snop  }
0x3c: {  	p2 =	seq.s32 s10, $0x1;
	s10 =	sld [smem:$0x3FB4]  }
0x3d: {  	_ =	shalt  }
0x3e: {  	_ =	shalt  }
0x3f: {  	_ =	shalt  }
0x40: {  	_ =	shalt  }
0x41: {  	_ =	shalt  }
0x42: {  	_ =	shalt  }
0x43: {  	_ =	shalt  }
0x44: {  	_ =	shalt  }
0x45: {  	_ =	shalt  }
0x46: {  	_ =	shalt  }
0x47: {  	_ =	shalt  }
0x48: {  	_ =	shalt  }
0x49: {  	_ =	shalt  }
0x4a: {  	_ =	shalt  }
0x4b: {  	_ =	shalt  }
0x4c: {  	_ =	shalt  }
0x4d: {  	_ =	shalt  }
0x4e: {  	_ =	shalt  }
0x4f: {  	_ =	shalt  }
0x50: {  	_ =	shalt  }
0x51: {  	_ =	shalt  }
0x52: {  	_ =	shalt  }
0x53: {  	_ =	shalt  }
0x54: {  	_ =	shalt  }
0x55: {  	_ =	shalt  }
0x56: {  	_ =	shalt  }
0x57: {  	_ =	shalt  }
0x58: {  	_ =	shalt  }
0x59: {  	_ =	shalt  }
0x5a: {  	_ =	shalt  }
0x5b: {  	_ =	shalt  }
0x5c: {  	_ =	shalt  }
0x5d: {  	_ =	shalt  }
0x5e: {  	_ =	shalt  }
0x5f: {  	_ =	shalt  }
0x60: {  	_ =	shalt  }
0x61: {  	_ =	shalt  }
0x62: {  	_ =	shalt  }
0x63: {  	_ =	shalt  }
0x64: {  	_ =	shalt  }
0x65: {  	_ =	shalt  }
0x66: {  	_ =	shalt  }
0x67: {  	_ =	shalt  }
0x68: {  	_ =	shalt  }
0x69: {  	_ =	shalt  }
0x6a: {  	_ =	shalt  }
0x6b: {  	_ =	shalt  }
0x6c: {  	_ =	shalt  }
0x6d: {  	_ =	shalt  }
0x6e: {  	_ =	shalt  }
0x6f: {  	_ =	shalt  }
0x70: {  	_ =	shalt  }
0x71: {  	_ =	shalt  }
0x72: {  	_ =	shalt  }
0x73: {  	_ =	shalt  }
0x74: {  	_ =	shalt  }
0x75: {  	_ =	shalt  }
0x76: {  	_ =	shalt  }
0x77: {  	_ =	shalt  }
0x78: {  	_ =	shalt  }
0x79: {  	_ =	shalt  }
0x7a: {  	_ =	shalt  }
0x7b: {  	_ =	shalt  }
0x7c: {  	_ =	shalt  }
0x7d: {  	_ =	shalt  }
0x7e: {  	_ =	shalt  }
0x7f: {  	_ =	shalt  }
0x80: {  	_ =	shalt  }
0x81: {  	_ =	shalt  }
0x82: {  	_ =	shalt  }
0x83: {  	_ =	shalt  }
0x84: {  	_ =	shalt  }
0x85: {  	_ =	shalt  }
0x86: {  	_ =	shalt  }
0x87: {  	_ =	shalt  }
.Lfunc_end0:
.L_simem_size_0:
called_computation_lowered:
.L_overlay_start_0:
0x88: {  	s2 =	sld [smem:$0x3FD9]  }
0x89: {  	s3 =	sld [smem:$0x3FFE];
	_ =	sdelay $0x1  }
0x8a: {  	s1 =	srdreg.scid  }
0x8b: {  	s0 =	sand.u32 $0x1, s1  }
0x8c: {  	s14 =	sshll.u32 s0, $0xA;
	s2 =	sadd.s32 s3, s2  }
0x8d: {  	s2 =	sadd.s32 s2, s14  }
0x8e: {  	[smem:$0x3FC0] =	sst s2  }
0x8f: {  	_ = 	snop  }
0x90: {  	s2 =	sld [smem:$0x3FD0];
	_ =	sdelay $0x2  }
0x91: {  	s15 =	simm.s32 $0xA;
	s4 =	simm.s32 $0x10  }
0x92: {  	[smem:s4], [sflag:s15] =	dma.local [hbm:s2], $0x1  }
0x93: {  	_ =	swait.eq [sflag:s15], $0x1  }
0x94: {  	[sflag:s15] =	ssyncset.done $0x0  }
0x95: {  	[sflag:s15] =	ssyncadd.s32 $0xFFFFFFFF  }
0x96: {  	s16 =	sld [smem:$0x11];
	(tm) =	ssettm $0x1  }
0x97: {  	s17 =	sld [smem:$0x3FFB];
	_ =	sdelay $0x3  }
0x98: {  	_ =	strace s17  }
0x99: {  	s3 =	sld [smem:$0x3FFC];
	_ =	sdelay $0x3  }
0x9a: {  	_ =	strace s3  }
0x9b: {  	s3 =	sld [smem:$0x3FFD];
	_ =	sdelay $0x3  }
0x9c: {  	_ =	strace s3  }
0x9d: {  	_ =	strace $0x8FFFFFFF  }
0x9e: {  	s18 =	sld [smem:$0x3FDB];
	_ =	sdelay $0x1  }
0x9f: {  	s19 =	simm.s32 $_scs_section_size  }
0xa0: {  	s5 =	simm.s32 $_size__tile_overlayer_lowered;
	s6 =	simm.s32 $_tile_overlayer_lowered  }
0xa1: {  	s22 =	simm.s32 $0x1BFF;
	s21 =	sshll.u32 s6, $0x1;
	s3 =	sadd.s32 s19, s18  }
0xa2: {  	s7 =	simm.s32 $0x0;
	s20 =	sshll.u32 s5, $0x1;
	s5 =	sadd.s32 s21, s3  }
0xa3: {  	[timem:s7], [sflag:s22] =	dma.local [hbm:s5], s20  }
0xa4: {  	_ =	swait.ge [sflag:s22], s20  }
0xa5: {  	s4 =	ssub.s32 $0x0, s20;
	[sflag:s22] =	ssyncset.done $0x0  }
0xa6: {  	[sflag:s22] =	ssyncadd.s32 s4;
	_ =	sdelay $0x1  }
0xa7: {  	s23 =	simm.s32 $0x1B8B  }
0xa8: {  	_ =	swait.ge [sflag:s23], $0x1  }
0xa9: {  	[sflag:s23] =	ssyncset.done $0x0  }
0xaa: {  	s25 =	simm.s32 $0x1B8E;
	s24 =	sld [smem:$0x3FFE];
	[sflag:s23] =	ssyncadd.s32 $0xFFFFFFFF  }
0xab: {  	s26 =	simm.s32 $execute0_lowered;
	[smem:$0x3FD2] =	sst s25  }
0xac: {  	s5 =	sshll.u32 s26, $0x1;
	_ =	strace $0x80000046;
	[dreg:$0x1] =	wrdreg $0xFFFFFFFF  }
0xad: {  	s28 =	simm.s32 $_size_execute0_lowered;
	s3 =	sadd.s32 s3, s5;
	[dreg:$0x0] =	wrdreg $0x0  }
0xae: {  	s5 =	sshll.u32 s28, $0x1;
	[dreg:$0x2] =	wrdreg s3  }
0xaf: {  	[dreg:$0x3] =	wrdreg s5  }
0xb0: {  	[dreg:$0x4] =	wrdreg $0xC0  }
0xb1: {  	_ =	task [dreg:s7], $0x5FFFF  }
0xb2: {  	[dreg:$0x1] =	wrdreg $0xFFFFFFFF  }
0xb3: {  	[dreg:$0x0] =	wrdreg $0x60  }
0xb4: {  	[dreg:$0x2] =	wrdreg s16  }
0xb5: {  	[dreg:$0x3] =	wrdreg s24  }
0xb6: {  	[dreg:$0x4] =	wrdreg $0x9  }
0xb7: {  	_ =	task.clear_ibuf [dreg:s7], $0x5FFFF;
	_ =	strace $0x90000046  }
0xb8: {  	s29 =	simm.s32 $0x9;
	_ =	strace $0x80000048  }
0xb9: {  	_ =	swait.ge [sflag:s29], $0x1  }
0xba: {  	[sflag:s29] =	ssyncadd.s32 $0xFFFFFFFF  }
0xbb: {  	_ =	strace $0x90000048  }
0xbc: {  	_ =	sfence  }
0xbd: {  	s30 =	sld [smem:$0x0];
	_ =	sdelay $0x2  }
0xbe: {  	s31 =	sshll.u32 s1, $0xD;
	s1 =	sshrl.u32 s1, $0x2  }
0xbf: {  	s3 =	sand.u32 $0x4000, s31;
	s1 =	sadd.s32 s1, s30  }
0xc0: {  	s0 =	sor.u32 s3, s0;
	s1 =	sshll.u32 s1, $0x11  }
0xc1: {  	s0 =	sor.u32 s1, s0  }
0xc2: {  	s0 =	sadd.s32 $0x8F2B, s0  }
0xc3: {  	[sflag:s0] =	ssyncadd.remote.s32 $0x1  }
0xc4: {  	_ =	sfence.sel $0xFFFF  }
0xc5: {  	[dreg:$0x0] =	wrdreg $0xFFFFFFFF;
	(pc) =	sbr.abs _section_cstart, $3  }
0xc6: {  	[dreg:$0x1] =	wrdreg $0xFFFFFFFF  }
0xc7: {  	_ =	task.clear_ibuf [dreg:s7], $0x2FFFF;
	_ =	strace $0x9FFFFFFF  }
0xc8: {  	(tm) =	ssettm $0x7FFFFFFF  }
0xc9: {  	_ =	shalt  }
tec
execute0_lowered:
.L_overlay_start_1:
0x0: {  	(tag) =	ssettag $0x1  }
0x1: {  	s0 =	srdreg.scid;
	s5 =	rddreg [dreg:$0x0]  }
0x2: {  	s2 =	stileid.u32;
	s6 =	rddreg [dreg:$0x1];
	s17 =	simm.s32 $0x7  }
0x3: {  	s18 =	simm.s32 $0x3000;
	s28 =	simm.s32 $0x1;
	s30 =	simm.s32 $0x138F0  }
0x4: {  	s31 =	simm.s32 $0x2;
	s19 =	simm.s32 $0x3;
	s20 =	simm.s32 $0x5  }
0x5: {  	s29 =	simm.s32 $0x0;
	s0 =	sand.u32 $0x1, s0;
	s1 =	sshll.u32 s2, $0x1  }
0x6: {  	s4 =	sshrl.u32 s2, $0x3;
	s2 =	simm.s32 $0x0;
	s1 =	sor.u32 s0, s1  }
0x7: {  	s3 =	smul.u32 $0xC00, s4;
	[smem:$0x7FF] =	sst s2;
	s0 =	ssub.s32 $0x2, s0  }
0x8: {  	s8 =	smul.u32 $0x600, s4;
	s4 =	sshll.u32 s4, $0xC;
	s21 =	sshll.u32 s1, $0x6  }
0x9: {  	_ =	strace $0x80000047;
	s1 =	sshll.u32 s1, $0xF;
	s23 =	sshrl.u32 s0, $0x1  }
0xa: {  	s7 =	sand.u32 $0x3C0, s21;
	s1 =	sadd.s32 s1, s6;
	s0 =	ssub.s32 s0, s23  }
0xb: {  	s5 =	sadd.s32 s5, s8;
	s21 =	simm.s32 $0x30C0;
	s3 =	sor.u32 s3, s7  }
0xc: {  	[dreg:$0x3] =	wrdreg s5;
	s8 =	sadd.s32 $0x21600, s1;
	s9 =	sadd.s32 $0x22600, s1  }
0xd: {  	s10 =	sadd.s32 $0x23600, s1;
	s11 =	sadd.s32 $0x24600, s1;
	s3 =	sshrl.u32 s3, $0x3  }
0xe: {  	s12 =	sadd.s32 $0x25600, s1;
	s13 =	sadd.s32 $0x26600, s1;
	s22 =	sadd.s32 s3, s6  }
0xf: {  	s14 =	sadd.s32 $0x27600, s1;
	s15 =	sadd.s32 $0x28600, s1;
	s24 =	sadd.s32 $0x1200, s22  }
0x10: {  	s16 =	smax.u32 s0, $0x1;
	s25 =	sadd.s32 $0x1280, s22;
	[dreg:$0x4] =	wrdreg s24  }
0x11: {  	s1 =	simm.s32 $0x4;
	s26 =	sadd.s32 $0x1300, s22;
	[dreg:$0x5] =	wrdreg s25  }
0x12: {  	v0 =	vlaneseq.u32;
	s3 =	sadd.s32 $0x1600, s6;
	s22 =	simm.s32 $0x100;
	[dreg:$0x6] =	wrdreg s26  }
0x13: {  	v2 =	vor.u32 $0x10, v0;
	v1 =	vmov s4;
	s24 =	simm.s32 $0x38F0;
	s26 =	simm.s32 $0xB8F0;
	s25 =	simm.s32 $0x6  }
.LBB2_1:
0x14: {  	s0 =	rddreg [dreg:$0x3]  }
0x15: {  	[tilespmem:s2], [sflag:$0x7] =	stream.linear.gather [hbm4b:s0+s2], $0x3000, $0x38;
	[tilespmem:$0x1B8F0] =	vst v63  }
0x16: {  	_ =	swait.ge [sflag:s17], $0x3000  }
0x17: {  	[sflag:s17] =	ssyncset.done $0x0  }
0x18: {  	s5 =	rddreg [dreg:$0x4];
	[sflag:s17] =	ssyncadd.s32 $0xFFFFD000  }
0x19: {  	[tilespmem:s18], [sflag:$0x7] =	stream.linear.gather [hbm4b:s5+s2], $0x40, $0x38;
	[tilespmem:$0x1B8F0] =	vst v63  }
0x1a: {  	_ =	swait.ge [sflag:s17], $0x40  }
0x1b: {  	[sflag:s17] =	ssyncset.done $0x0  }
0x1c: {  	s4 =	simm.s32 $0x3040;
	s6 =	rddreg [dreg:$0x5];
	[sflag:s17] =	ssyncadd.s32 $0xFFFFFFC0  }
0x1d: {  	[tilespmem:s4], [sflag:$0x7] =	stream.linear.gather [hbm4b:s6+s2], $0x40, $0x38;
	[tilespmem:$0x1B8F0] =	vst v63  }
0x1e: {  	_ =	swait.ge [sflag:s17], $0x40  }
0x1f: {  	[sflag:s17] =	ssyncset.done $0x0  }
0x20: {  	s23 =	simm.s32 $0x3080;
	s7 =	rddreg [dreg:$0x6];
	[sflag:s17] =	ssyncadd.s32 $0xFFFFFFC0  }
0x21: {  	[tilespmem:s23], [sflag:$0x7] =	stream.linear.gather [hbm4b:s7+s2], $0x40, $0x38;
	[tilespmem:$0x1B8F0] =	vst v63  }
0x22: {  	_ =	swait.ge [sflag:s17], $0x40  }
0x23: {  	[sflag:s17] =	ssyncset.done $0x0  }
0x24: {  	s0 =	simm.s32 $0x0;
	[sflag:s17] =	ssyncadd.s32 $0xFFFFFFC0  }
.LBB2_2:
0x25: {  	v3 =	vmov s0  }
0x26: {  	v4 =	vor.u32 $0x40, v3  }
0x27: {  	v5 =	vor.u32 $0x80, v3;
	_ =	sdelay $0x2  }
0x28: {  	v3 =	vld.idx.msk [tilespmem:v3+s18+$0x0], $0xffff  }
0x29: {  	s23 =	simm.s32 $0x2000;
	v4 =	vld.idx.msk [tilespmem:v4+s18+$0x0], $0xffff  }
0x2a: {  	s6 =	simm.s32 $0x0;
	s5 =	simm.s32 $0x0;
	s4 =	simm.s32 $0x0;
	v5 =	vld.idx.msk [tilespmem:v5+s18+$0x0], $0xffff  }
.LBB2_3:
0x2b: {  	v6 =	vld [tilespmem:s23+$0xFFFFE000]  }
0x2c: {  	v7 =	vld [tilespmem:s23+$0xFFFFF000];
	_ =	sdelay $0x1  }
0x2d: {  	v8 =	vld [tilespmem:s23+$0x0];
	_ =	sdelay $0x2  }
0x2e: {  	v6 =	vsub.f32 v6, v3;
	v7 =	vsub.f32 v7, v4;
	_ =	sdelay $0x1  }
0x2f: {  	v8 =	vsub.f32 v8, v5;
	v6 =	vmul.f32 v6, v6;
	v7 =	vmul.f32 v7, v7;
	_ =	sdelay $0x1  }
0x30: {  	v6 =	vadd.f32 v7, v6;
	v7 =	vmul.f32 v8, v8;
	_ =	sdelay $0x1  }
0x31: {  	v6 =	vadd.f32 v7, v6;
	_ =	sdelay $0x1  }
0x32: {  	vm0 =	vlt.f32 v6, $1.599999960e-01  }
0x33: {  	v6 =	vmpcnt.ones.xlane vm0;
	_ =	sdelay $0x1  }
0x34: {  	v6 =	vxor.u32 $0x80000000, v6  }
0x35: {  	(xrf0) =	vmax.scan.msk.u32 $0xffff, v6;
	_ =	sdelay $0x5  }
0x36: {  	v6, _, _ =	vpop (xrf0)  }
0x37: {  	(v2sf) =	vpush v6, $0xF;
	_ =	sdelay $0xe  }
0x38: {  	s7 =	spop (v2sf)  }
0x39: {  	v6 =	vor.u32 s5, v0;
	s7 =	sadd.s32 s7, s4  }
0x3a: {  	p0 =	sgt.u32 s6, $0xFE;
	[tilespmem:s4+$0x30C0] =	vst.msk vm0, v6;
	s4 =	sadd.s32 $0x80000000, s7  }
0x3b: {  	p1 =	slt.s32 @!p0 s4, $0x20  }
0x3c: {  	p0 =	por p0, !p1  }
.Ltmp0:
0x3d: {  	_ = 	snop;
	(pc) =	sbr.rel @!p0 .LBB2_3-.Ltmp0, $2  }
0x3e: {  	_ =	sdelay $0x2  }
0x3f: {  	s6 =	sadd.s32 $0x1, s6;
	s23 =	sadd.s32 $0x10, s23;
	s5 =	sadd.s32 $0x10, s5  }
0x40: {  	v3 =	vld.msk [tilespmem:s21+$0x0], $0xffff  }
0x41: {  	v4 =	vld [tilespmem:$0x30C0];
	_ =	sdelay $0x1  }
0x42: {  	v5 =	vmov s4  }
0x43: {  	vm0 =	vgt.s32 v5, $0x0  }
0x44: {  	vm14 =	vgt.s32 v5, v0;
	v3 =	vnsel vm0, $0x0, v3  }
0x45: {  	s23 =	sshll.u32 s0, $0x5;
	v4 =	vsel vm14, v4, v3  }
0x46: {  	s4 =	sand.u32 $0x3FFFFFE0, s23;
	v4 =	vadd.s32 v1, v4  }
0x47: {  	[tilespmem:s4+$0x30F0] =	vst v4  }
0x48: {  	v4 =	vld [tilespmem:$0x30D0]  }
0x49: {  	s0 =	sadd.s32 $0x1, s0  }
0x4a: {  	p0 =	sne.s32 s0, $0x8  }
.Ltmp1:
0x4b: {  	_ = 	snop;
	(pc) =	sbr.rel @p0 .LBB2_2-.Ltmp1, $4  }
0x4c: {  	vm15 =	vgt.s32 v5, v2  }
0x4d: {  	v3 =	vsel vm15, v4, v3  }
0x4e: {  	v3 =	vadd.s32 v1, v3  }
0x4f: {  	[tilespmem:s4+$0x3100] =	vst v3  }
0x50: {  	s0 =	simm.s32 $0x30F0  }
0x51: {  	[tilespmem:s24], [sflag:$0x1] =	stream.indirect.gather [hbm4b:s3+s22], $0x80, s0, s22, $0xb8;
	[tilespmem:$0x1B8F0] =	vst v63  }
0x52: {  	s0 =	simm.s32 $0x0  }
.LBB2_6:
0x53: {  	s4 =	sor.u32 $0x8, s0  }
0x54: {  	v3 =	vmov s4  }
0x55: {  	v4 =	vor.u32 $0x48, v3  }
0x56: {  	v5 =	vor.u32 $0x88, v3;
	_ =	sdelay $0x2  }
0x57: {  	v3 =	vld.idx.msk [tilespmem:v3+s18+$0x0], $0xffff  }
0x58: {  	s23 =	simm.s32 $0x2000;
	v4 =	vld.idx.msk [tilespmem:v4+s18+$0x0], $0xffff  }
0x59: {  	s5 =	simm.s32 $0x0;
	s6 =	simm.s32 $0x0;
	s4 =	simm.s32 $0x0;
	v5 =	vld.idx.msk [tilespmem:v5+s18+$0x0], $0xffff  }
.LBB2_7:
0x5a: {  	v6 =	vld [tilespmem:s23+$0xFFFFE000]  }
0x5b: {  	v7 =	vld [tilespmem:s23+$0xFFFFF000];
	_ =	sdelay $0x1  }
0x5c: {  	v8 =	vld [tilespmem:s23+$0x0];
	_ =	sdelay $0x2  }
0x5d: {  	v6 =	vsub.f32 v6, v3;
	v7 =	vsub.f32 v7, v4;
	_ =	sdelay $0x1  }
0x5e: {  	v8 =	vsub.f32 v8, v5;
	v6 =	vmul.f32 v6, v6;
	v7 =	vmul.f32 v7, v7;
	_ =	sdelay $0x1  }
0x5f: {  	v6 =	vadd.f32 v7, v6;
	v7 =	vmul.f32 v8, v8;
	_ =	sdelay $0x1  }
0x60: {  	v6 =	vadd.f32 v7, v6;
	_ =	sdelay $0x1  }
0x61: {  	vm0 =	vlt.f32 v6, $1.599999960e-01  }
0x62: {  	v6 =	vmpcnt.ones.xlane vm0;
	_ =	sdelay $0x1  }
0x63: {  	v6 =	vxor.u32 $0x80000000, v6  }
0x64: {  	(xrf0) =	vmax.scan.msk.u32 $0xffff, v6;
	_ =	sdelay $0x5  }
0x65: {  	v6, _, _ =	vpop (xrf0)  }
0x66: {  	(v2sf) =	vpush v6, $0xF;
	_ =	sdelay $0xe  }
0x67: {  	s7 =	spop (v2sf)  }
0x68: {  	v6 =	vor.u32 s5, v0;
	s7 =	sadd.s32 s7, s4  }
0x69: {  	p0 =	sgt.u32 s6, $0xFE;
	[tilespmem:s4+$0x30C0] =	vst.msk vm0, v6;
	s4 =	sadd.s32 $0x80000000, s7  }
0x6a: {  	p1 =	slt.s32 @!p0 s4, $0x20  }
0x6b: {  	p0 =	por p0, !p1  }
.Ltmp2:
0x6c: {  	_ = 	snop;
	(pc) =	sbr.rel @!p0 .LBB2_7-.Ltmp2, $2  }
0x6d: {  	_ =	sdelay $0x2  }
0x6e: {  	s6 =	sadd.s32 $0x1, s6;
	s23 =	sadd.s32 $0x10, s23;
	s5 =	sadd.s32 $0x10, s5  }
0x6f: {  	v3 =	vld.msk [tilespmem:s21+$0x0], $0xffff  }
0x70: {  	v4 =	vld [tilespmem:$0x30C0];
	_ =	sdelay $0x1  }
0x71: {  	v5 =	vmov s4  }
0x72: {  	vm0 =	vgt.s32 v5, $0x0  }
0x73: {  	vm14 =	vgt.s32 v5, v0;
	v3 =	vnsel vm0, $0x0, v3  }
0x74: {  	s23 =	sshll.u32 s0, $0x5;
	v4 =	vsel vm14, v4, v3  }
0x75: {  	s4 =	sand.u32 $0x3FFFFFE0, s23;
	v4 =	vadd.s32 v1, v4  }
0x76: {  	[tilespmem:s4+$0x31F0] =	vst v4  }
0x77: {  	v4 =	vld [tilespmem:$0x30D0]  }
0x78: {  	s0 =	sadd.s32 $0x1, s0  }
0x79: {  	p0 =	sne.s32 s0, $0x8  }
.Ltmp3:
0x7a: {  	_ = 	snop;
	(pc) =	sbr.rel @p0 .LBB2_6-.Ltmp3, $4  }
0x7b: {  	vm15 =	vgt.s32 v5, v2  }
0x7c: {  	v3 =	vsel vm15, v4, v3  }
0x7d: {  	v3 =	vadd.s32 v1, v3  }
0x7e: {  	[tilespmem:s4+$0x3200] =	vst v3  }
0x7f: {  	s0 =	simm.s32 $0x31F0  }
0x80: {  	[tilespmem:s26], [sflag:$0x2] =	stream.indirect.gather [hbm4b:s3+s22], $0x80, s0, s22, $0xb8;
	[tilespmem:$0x1B8F0] =	vst v63  }
0x81: {  	_ =	swait.ge [sflag:s28], $0x8000  }
0x82: {  	[sflag:s28] =	ssyncset.done $0x0  }
0x83: {  	s0 =	simm.s32 $0x0;
	[sflag:s28] =	ssyncadd.s32 $0xFFFF8000  }
0x84: {  	[hbm4b:s8+s0] =	stream.linear.scatter [tilespmem:s24], [sflag:$0x4], $0x8000, $0x38;
	[tilespmem:$0x1B8F0] =	vst v63  }
.LBB2_10:
0x85: {  	s4 =	sor.u32 $0x10, s0  }
0x86: {  	v3 =	vmov s4  }
0x87: {  	v4 =	vor.u32 $0x50, v3  }
0x88: {  	v5 =	vor.u32 $0x90, v3;
	_ =	sdelay $0x2  }
0x89: {  	v3 =	vld.idx.msk [tilespmem:v3+s18+$0x0], $0xffff  }
0x8a: {  	s23 =	simm.s32 $0x2000;
	v4 =	vld.idx.msk [tilespmem:v4+s18+$0x0], $0xffff  }
0x8b: {  	s5 =	simm.s32 $0x0;
	s6 =	simm.s32 $0x0;
	s4 =	simm.s32 $0x0;
	v5 =	vld.idx.msk [tilespmem:v5+s18+$0x0], $0xffff  }
.LBB2_11:
0x8c: {  	v6 =	vld [tilespmem:s23+$0xFFFFE000]  }
0x8d: {  	v7 =	vld [tilespmem:s23+$0xFFFFF000];
	_ =	sdelay $0x1  }
0x8e: {  	v8 =	vld [tilespmem:s23+$0x0];
	_ =	sdelay $0x2  }
0x8f: {  	v6 =	vsub.f32 v6, v3;
	v7 =	vsub.f32 v7, v4;
	_ =	sdelay $0x1  }
0x90: {  	v8 =	vsub.f32 v8, v5;
	v6 =	vmul.f32 v6, v6;
	v7 =	vmul.f32 v7, v7;
	_ =	sdelay $0x1  }
0x91: {  	v6 =	vadd.f32 v7, v6;
	v7 =	vmul.f32 v8, v8;
	_ =	sdelay $0x1  }
0x92: {  	v6 =	vadd.f32 v7, v6;
	_ =	sdelay $0x1  }
0x93: {  	vm0 =	vlt.f32 v6, $1.599999960e-01  }
0x94: {  	v6 =	vmpcnt.ones.xlane vm0;
	_ =	sdelay $0x1  }
0x95: {  	v6 =	vxor.u32 $0x80000000, v6  }
0x96: {  	(xrf0) =	vmax.scan.msk.u32 $0xffff, v6;
	_ =	sdelay $0x5  }
0x97: {  	v6, _, _ =	vpop (xrf0)  }
0x98: {  	(v2sf) =	vpush v6, $0xF;
	_ =	sdelay $0xe  }
0x99: {  	s7 =	spop (v2sf)  }
0x9a: {  	v6 =	vor.u32 s5, v0;
	s7 =	sadd.s32 s7, s4  }
0x9b: {  	p0 =	sgt.u32 s6, $0xFE;
	[tilespmem:s4+$0x30C0] =	vst.msk vm0, v6;
	s4 =	sadd.s32 $0x80000000, s7  }
0x9c: {  	p1 =	slt.s32 @!p0 s4, $0x20  }
0x9d: {  	p0 =	por p0, !p1  }
.Ltmp4:
0x9e: {  	_ = 	snop;
	(pc) =	sbr.rel @!p0 .LBB2_11-.Ltmp4, $2  }
0x9f: {  	_ =	sdelay $0x2  }
0xa0: {  	s6 =	sadd.s32 $0x1, s6;
	s23 =	sadd.s32 $0x10, s23;
	s5 =	sadd.s32 $0x10, s5  }
0xa1: {  	v3 =	vld.msk [tilespmem:s21+$0x0], $0xffff  }
0xa2: {  	v4 =	vld [tilespmem:$0x30C0];
	_ =	sdelay $0x1  }
0xa3: {  	v5 =	vmov s4  }
0xa4: {  	vm0 =	vgt.s32 v5, $0x0  }
0xa5: {  	vm14 =	vgt.s32 v5, v0;
	v3 =	vnsel vm0, $0x0, v3  }
0xa6: {  	s23 =	sshll.u32 s0, $0x5;
	v4 =	vsel vm14, v4, v3  }
0xa7: {  	s4 =	sand.u32 $0x3FFFFFE0, s23;
	v4 =	vadd.s32 v1, v4  }
0xa8: {  	[tilespmem:s4+$0x32F0] =	vst v4  }
0xa9: {  	v4 =	vld [tilespmem:$0x30D0]  }
0xaa: {  	s0 =	sadd.s32 $0x1, s0  }
0xab: {  	p0 =	sne.s32 s0, $0x8  }
.Ltmp5:
0xac: {  	_ = 	snop;
	(pc) =	sbr.rel @p0 .LBB2_10-.Ltmp5, $4  }
0xad: {  	vm15 =	vgt.s32 v5, v2  }
0xae: {  	v3 =	vsel vm15, v4, v3  }
0xaf: {  	v3 =	vadd.s32 v1, v3  }
0xb0: {  	[tilespmem:s4+$0x3300] =	vst v3  }
0xb1: {  	s0 =	simm.s32 $0x32F0  }
0xb2: {  	[tilespmem:s30], [sflag:$0x3] =	stream.indirect.gather [hbm4b:s3+s22], $0x80, s0, s22, $0xb8;
	[tilespmem:$0x1B8F0] =	vst v63  }
0xb3: {  	_ =	swait.ge [sflag:s31], $0x8000  }
0xb4: {  	[sflag:s31] =	ssyncset.done $0x0  }
0xb5: {  	s0 =	simm.s32 $0x0;
	[sflag:s31] =	ssyncadd.s32 $0xFFFF8000  }
0xb6: {  	[hbm4b:s9+s0] =	stream.linear.scatter [tilespmem:s26], [sflag:$0x5], $0x8000, $0x38;
	[tilespmem:$0x1B8F0] =	vst v63  }
.LBB2_14:
0xb7: {  	s4 =	sor.u32 $0x18, s0  }
0xb8: {  	v3 =	vmov s4  }
0xb9: {  	v4 =	vor.u32 $0x58, v3  }
0xba: {  	v5 =	vor.u32 $0x98, v3;
	_ =	sdelay $0x2  }
0xbb: {  	v3 =	vld.idx.msk [tilespmem:v3+s18+$0x0], $0xffff  }
0xbc: {  	s23 =	simm.s32 $0x2000;
	v4 =	vld.idx.msk [tilespmem:v4+s18+$0x0], $0xffff  }
0xbd: {  	s5 =	simm.s32 $0x0;
	s6 =	simm.s32 $0x0;
	s4 =	simm.s32 $0x0;
	v5 =	vld.idx.msk [tilespmem:v5+s18+$0x0], $0xffff  }
.LBB2_15:
0xbe: {  	v6 =	vld [tilespmem:s23+$0xFFFFE000]  }
0xbf: {  	v7 =	vld [tilespmem:s23+$0xFFFFF000];
	_ =	sdelay $0x1  }
0xc0: {  	v8 =	vld [tilespmem:s23+$0x0];
	_ =	sdelay $0x2  }
0xc1: {  	v6 =	vsub.f32 v6, v3;
	v7 =	vsub.f32 v7, v4;
	_ =	sdelay $0x1  }
0xc2: {  	v8 =	vsub.f32 v8, v5;
	v6 =	vmul.f32 v6, v6;
	v7 =	vmul.f32 v7, v7;
	_ =	sdelay $0x1  }
0xc3: {  	v6 =	vadd.f32 v7, v6;
	v7 =	vmul.f32 v8, v8;
	_ =	sdelay $0x1  }
0xc4: {  	v6 =	vadd.f32 v7, v6;
	_ =	sdelay $0x1  }
0xc5: {  	vm0 =	vlt.f32 v6, $1.599999960e-01  }
0xc6: {  	v6 =	vmpcnt.ones.xlane vm0;
	_ =	sdelay $0x1  }
0xc7: {  	v6 =	vxor.u32 $0x80000000, v6  }
0xc8: {  	(xrf0) =	vmax.scan.msk.u32 $0xffff, v6;
	_ =	sdelay $0x5  }
0xc9: {  	v6, _, _ =	vpop (xrf0)  }
0xca: {  	(v2sf) =	vpush v6, $0xF;
	_ =	sdelay $0xe  }
0xcb: {  	s7 =	spop (v2sf)  }
0xcc: {  	v6 =	vor.u32 s5, v0;
	s7 =	sadd.s32 s7, s4  }
0xcd: {  	p0 =	sgt.u32 s6, $0xFE;
	[tilespmem:s4+$0x30C0] =	vst.msk vm0, v6;
	s4 =	sadd.s32 $0x80000000, s7  }
0xce: {  	p1 =	slt.s32 @!p0 s4, $0x20  }
0xcf: {  	p0 =	por p0, !p1  }
.Ltmp6:
0xd0: {  	_ = 	snop;
	(pc) =	sbr.rel @!p0 .LBB2_15-.Ltmp6, $2  }
0xd1: {  	_ =	sdelay $0x2  }
0xd2: {  	s6 =	sadd.s32 $0x1, s6;
	s23 =	sadd.s32 $0x10, s23;
	s5 =	sadd.s32 $0x10, s5  }
0xd3: {  	v3 =	vld.msk [tilespmem:s21+$0x0], $0xffff  }
0xd4: {  	v4 =	vld [tilespmem:$0x30C0];
	_ =	sdelay $0x1  }
0xd5: {  	v5 =	vmov s4  }
0xd6: {  	vm0 =	vgt.s32 v5, $0x0  }
0xd7: {  	vm14 =	vgt.s32 v5, v0;
	v3 =	vnsel vm0, $0x0, v3  }
0xd8: {  	s23 =	sshll.u32 s0, $0x5;
	v4 =	vsel vm14, v4, v3  }
0xd9: {  	s4 =	sand.u32 $0x3FFFFFE0, s23;
	v4 =	vadd.s32 v1, v4  }
0xda: {  	[tilespmem:s4+$0x33F0] =	vst v4  }
0xdb: {  	v4 =	vld [tilespmem:$0x30D0]  }
0xdc: {  	s0 =	sadd.s32 $0x1, s0  }
0xdd: {  	p0 =	sne.s32 s0, $0x8  }
.Ltmp7:
0xde: {  	_ = 	snop;
	(pc) =	sbr.rel @p0 .LBB2_14-.Ltmp7, $4  }
0xdf: {  	vm15 =	vgt.s32 v5, v2  }
0xe0: {  	v3 =	vsel vm15, v4, v3  }
0xe1: {  	v3 =	vadd.s32 v1, v3  }
0xe2: {  	[tilespmem:s4+$0x3400] =	vst v3  }
0xe3: {  	_ =	swait.ge [sflag:s1], $0x8000  }
0xe4: {  	[sflag:s1] =	ssyncset.done $0x0  }
0xe5: {  	s0 =	simm.s32 $0x33F0;
	[sflag:s1] =	ssyncadd.s32 $0xFFFF8000  }
0xe6: {  	[tilespmem:s24], [sflag:$0x1] =	stream.indirect.gather [hbm4b:s3+s22], $0x80, s0, s22, $0xb8;
	[tilespmem:$0x1B8F0] =	vst v63  }
0xe7: {  	_ =	swait.ge [sflag:s19], $0x8000  }
0xe8: {  	[sflag:s19] =	ssyncset.done $0x0  }
0xe9: {  	s0 =	simm.s32 $0x0;
	[sflag:s19] =	ssyncadd.s32 $0xFFFF8000  }
0xea: {  	[hbm4b:s10+s0] =	stream.linear.scatter [tilespmem:s30], [sflag:$0x6], $0x8000, $0x38;
	[tilespmem:$0x1B8F0] =	vst v63  }
.LBB2_18:
0xeb: {  	s4 =	sor.u32 $0x20, s0  }
0xec: {  	v3 =	vmov s4  }
0xed: {  	v4 =	vor.u32 $0x60, v3  }
0xee: {  	v5 =	vor.u32 $0xA0, v3;
	_ =	sdelay $0x2  }
0xef: {  	v3 =	vld.idx.msk [tilespmem:v3+s18+$0x0], $0xffff  }
0xf0: {  	s23 =	simm.s32 $0x2000;
	v4 =	vld.idx.msk [tilespmem:v4+s18+$0x0], $0xffff  }
0xf1: {  	s5 =	simm.s32 $0x0;
	s6 =	simm.s32 $0x0;
	s4 =	simm.s32 $0x0;
	v5 =	vld.idx.msk [tilespmem:v5+s18+$0x0], $0xffff  }
.LBB2_19:
0xf2: {  	v6 =	vld [tilespmem:s23+$0xFFFFE000]  }
0xf3: {  	v7 =	vld [tilespmem:s23+$0xFFFFF000];
	_ =	sdelay $0x1  }
0xf4: {  	v8 =	vld [tilespmem:s23+$0x0];
	_ =	sdelay $0x2  }
0xf5: {  	v6 =	vsub.f32 v6, v3;
	v7 =	vsub.f32 v7, v4;
	_ =	sdelay $0x1  }
0xf6: {  	v8 =	vsub.f32 v8, v5;
	v6 =	vmul.f32 v6, v6;
	v7 =	vmul.f32 v7, v7;
	_ =	sdelay $0x1  }
0xf7: {  	v6 =	vadd.f32 v7, v6;
	v7 =	vmul.f32 v8, v8;
	_ =	sdelay $0x1  }
0xf8: {  	v6 =	vadd.f32 v7, v6;
	_ =	sdelay $0x1  }
0xf9: {  	vm0 =	vlt.f32 v6, $1.599999960e-01  }
0xfa: {  	v6 =	vmpcnt.ones.xlane vm0;
	_ =	sdelay $0x1  }
0xfb: {  	v6 =	vxor.u32 $0x80000000, v6  }
0xfc: {  	(xrf0) =	vmax.scan.msk.u32 $0xffff, v6;
	_ =	sdelay $0x5  }
0xfd: {  	v6, _, _ =	vpop (xrf0)  }
0xfe: {  	(v2sf) =	vpush v6, $0xF;
	_ =	sdelay $0xe  }
0xff: {  	s7 =	spop (v2sf)  }
0x100: {  	v6 =	vor.u32 s5, v0;
	s7 =	sadd.s32 s7, s4  }
0x101: {  	p0 =	sgt.u32 s6, $0xFE;
	[tilespmem:s4+$0x30C0] =	vst.msk vm0, v6;
	s4 =	sadd.s32 $0x80000000, s7  }
0x102: {  	p1 =	slt.s32 @!p0 s4, $0x20  }
0x103: {  	p0 =	por p0, !p1  }
.Ltmp8:
0x104: {  	_ = 	snop;
	(pc) =	sbr.rel @!p0 .LBB2_19-.Ltmp8, $2  }
0x105: {  	_ =	sdelay $0x2  }
0x106: {  	s6 =	sadd.s32 $0x1, s6;
	s23 =	sadd.s32 $0x10, s23;
	s5 =	sadd.s32 $0x10, s5  }
0x107: {  	v3 =	vld.msk [tilespmem:s21+$0x0], $0xffff  }
0x108: {  	v4 =	vld [tilespmem:$0x30C0];
	_ =	sdelay $0x1  }
0x109: {  	v5 =	vmov s4  }
0x10a: {  	vm0 =	vgt.s32 v5, $0x0  }
0x10b: {  	vm14 =	vgt.s32 v5, v0;
	v3 =	vnsel vm0, $0x0, v3  }
0x10c: {  	s23 =	sshll.u32 s0, $0x5;
	v4 =	vsel vm14, v4, v3  }
0x10d: {  	s4 =	sand.u32 $0x3FFFFFE0, s23;
	v4 =	vadd.s32 v1, v4  }
0x10e: {  	[tilespmem:s4+$0x34F0] =	vst v4  }
0x10f: {  	v4 =	vld [tilespmem:$0x30D0]  }
0x110: {  	s0 =	sadd.s32 $0x1, s0  }
0x111: {  	p0 =	sne.s32 s0, $0x8  }
.Ltmp9:
0x112: {  	_ = 	snop;
	(pc) =	sbr.rel @p0 .LBB2_18-.Ltmp9, $4  }
0x113: {  	vm15 =	vgt.s32 v5, v2  }
0x114: {  	v3 =	vsel vm15, v4, v3  }
0x115: {  	v3 =	vadd.s32 v1, v3  }
0x116: {  	[tilespmem:s4+$0x3500] =	vst v3  }
0x117: {  	_ =	swait.ge [sflag:s20], $0x8000  }
0x118: {  	[sflag:s20] =	ssyncset.done $0x0  }
0x119: {  	s0 =	simm.s32 $0x34F0;
	[sflag:s20] =	ssyncadd.s32 $0xFFFF8000  }
0x11a: {  	[tilespmem:s26], [sflag:$0x2] =	stream.indirect.gather [hbm4b:s3+s22], $0x80, s0, s22, $0xb8;
	[tilespmem:$0x1B8F0] =	vst v63  }
0x11b: {  	_ =	swait.ge [sflag:s28], $0x8000  }
0x11c: {  	[sflag:s28] =	ssyncset.done $0x0  }
0x11d: {  	s0 =	simm.s32 $0x0;
	[sflag:s28] =	ssyncadd.s32 $0xFFFF8000  }
0x11e: {  	[hbm4b:s11+s0] =	stream.linear.scatter [tilespmem:s24], [sflag:$0x4], $0x8000, $0x38;
	[tilespmem:$0x1B8F0] =	vst v63  }
.LBB2_22:
0x11f: {  	s4 =	sor.u32 $0x28, s0  }
0x120: {  	v3 =	vmov s4  }
0x121: {  	v4 =	vor.u32 $0x68, v3  }
0x122: {  	v5 =	vor.u32 $0xA8, v3;
	_ =	sdelay $0x2  }
0x123: {  	v3 =	vld.idx.msk [tilespmem:v3+s18+$0x0], $0xffff  }
0x124: {  	s23 =	simm.s32 $0x2000;
	v4 =	vld.idx.msk [tilespmem:v4+s18+$0x0], $0xffff  }
0x125: {  	s5 =	simm.s32 $0x0;
	s6 =	simm.s32 $0x0;
	s4 =	simm.s32 $0x0;
	v5 =	vld.idx.msk [tilespmem:v5+s18+$0x0], $0xffff  }
.LBB2_23:
0x126: {  	v6 =	vld [tilespmem:s23+$0xFFFFE000]  }
0x127: {  	v7 =	vld [tilespmem:s23+$0xFFFFF000];
	_ =	sdelay $0x1  }
0x128: {  	v8 =	vld [tilespmem:s23+$0x0];
	_ =	sdelay $0x2  }
0x129: {  	v6 =	vsub.f32 v6, v3;
	v7 =	vsub.f32 v7, v4;
	_ =	sdelay $0x1  }
0x12a: {  	v8 =	vsub.f32 v8, v5;
	v6 =	vmul.f32 v6, v6;
	v7 =	vmul.f32 v7, v7;
	_ =	sdelay $0x1  }
0x12b: {  	v6 =	vadd.f32 v7, v6;
	v7 =	vmul.f32 v8, v8;
	_ =	sdelay $0x1  }
0x12c: {  	v6 =	vadd.f32 v7, v6;
	_ =	sdelay $0x1  }
0x12d: {  	vm0 =	vlt.f32 v6, $1.599999960e-01  }
0x12e: {  	v6 =	vmpcnt.ones.xlane vm0;
	_ =	sdelay $0x1  }
0x12f: {  	v6 =	vxor.u32 $0x80000000, v6  }
0x130: {  	(xrf0) =	vmax.scan.msk.u32 $0xffff, v6;
	_ =	sdelay $0x5  }
0x131: {  	v6, _, _ =	vpop (xrf0)  }
0x132: {  	(v2sf) =	vpush v6, $0xF;
	_ =	sdelay $0xe  }
0x133: {  	s7 =	spop (v2sf)  }
0x134: {  	v6 =	vor.u32 s5, v0;
	s7 =	sadd.s32 s7, s4  }
0x135: {  	p0 =	sgt.u32 s6, $0xFE;
	[tilespmem:s4+$0x30C0] =	vst.msk vm0, v6;
	s4 =	sadd.s32 $0x80000000, s7  }
0x136: {  	p1 =	slt.s32 @!p0 s4, $0x20  }
0x137: {  	p0 =	por p0, !p1  }
.Ltmp10:
0x138: {  	_ = 	snop;
	(pc) =	sbr.rel @!p0 .LBB2_23-.Ltmp10, $2  }
0x139: {  	_ =	sdelay $0x2  }
0x13a: {  	s6 =	sadd.s32 $0x1, s6;
	s23 =	sadd.s32 $0x10, s23;
	s5 =	sadd.s32 $0x10, s5  }
0x13b: {  	v3 =	vld.msk [tilespmem:s21+$0x0], $0xffff  }
0x13c: {  	v4 =	vld [tilespmem:$0x30C0];
	_ =	sdelay $0x1  }
0x13d: {  	v5 =	vmov s4  }
0x13e: {  	vm0 =	vgt.s32 v5, $0x0  }
0x13f: {  	vm14 =	vgt.s32 v5, v0;
	v3 =	vnsel vm0, $0x0, v3  }
0x140: {  	s23 =	sshll.u32 s0, $0x5;
	v4 =	vsel vm14, v4, v3  }
0x141: {  	s4 =	sand.u32 $0x3FFFFFE0, s23;
	v4 =	vadd.s32 v1, v4  }
0x142: {  	[tilespmem:s4+$0x35F0] =	vst v4  }
0x143: {  	v4 =	vld [tilespmem:$0x30D0]  }
0x144: {  	s0 =	sadd.s32 $0x1, s0  }
0x145: {  	p0 =	sne.s32 s0, $0x8  }
.Ltmp11:
0x146: {  	_ = 	snop;
	(pc) =	sbr.rel @p0 .LBB2_22-.Ltmp11, $4  }
0x147: {  	vm15 =	vgt.s32 v5, v2  }
0x148: {  	v3 =	vsel vm15, v4, v3  }
0x149: {  	v3 =	vadd.s32 v1, v3  }
0x14a: {  	[tilespmem:s4+$0x3600] =	vst v3  }
0x14b: {  	_ =	swait.ge [sflag:s25], $0x8000  }
0x14c: {  	[sflag:s25] =	ssyncset.done $0x0  }
0x14d: {  	s0 =	simm.s32 $0x35F0;
	[sflag:s25] =	ssyncadd.s32 $0xFFFF8000  }
0x14e: {  	[tilespmem:s30], [sflag:$0x3] =	stream.indirect.gather [hbm4b:s3+s22], $0x80, s0, s22, $0xb8;
	[tilespmem:$0x1B8F0] =	vst v63  }
0x14f: {  	_ =	swait.ge [sflag:s31], $0x8000  }
0x150: {  	[sflag:s31] =	ssyncset.done $0x0  }
0x151: {  	s0 =	simm.s32 $0x0;
	[sflag:s31] =	ssyncadd.s32 $0xFFFF8000  }
0x152: {  	[hbm4b:s12+s0] =	stream.linear.scatter [tilespmem:s26], [sflag:$0x5], $0x8000, $0x38;
	[tilespmem:$0x1B8F0] =	vst v63  }
.LBB2_26:
0x153: {  	s4 =	sor.u32 $0x30, s0  }
0x154: {  	v3 =	vmov s4  }
0x155: {  	v4 =	vor.u32 $0x70, v3  }
0x156: {  	v5 =	vor.u32 $0xB0, v3;
	_ =	sdelay $0x2  }
0x157: {  	v3 =	vld.idx.msk [tilespmem:v3+s18+$0x0], $0xffff  }
0x158: {  	s23 =	simm.s32 $0x2000;
	v4 =	vld.idx.msk [tilespmem:v4+s18+$0x0], $0xffff  }
0x159: {  	s5 =	simm.s32 $0x0;
	s6 =	simm.s32 $0x0;
	s4 =	simm.s32 $0x0;
	v5 =	vld.idx.msk [tilespmem:v5+s18+$0x0], $0xffff  }
.LBB2_27:
0x15a: {  	v6 =	vld [tilespmem:s23+$0xFFFFE000]  }
0x15b: {  	v7 =	vld [tilespmem:s23+$0xFFFFF000];
	_ =	sdelay $0x1  }
0x15c: {  	v8 =	vld [tilespmem:s23+$0x0];
	_ =	sdelay $0x2  }
0x15d: {  	v6 =	vsub.f32 v6, v3;
	v7 =	vsub.f32 v7, v4;
	_ =	sdelay $0x1  }
0x15e: {  	v8 =	vsub.f32 v8, v5;
	v6 =	vmul.f32 v6, v6;
	v7 =	vmul.f32 v7, v7;
	_ =	sdelay $0x1  }
0x15f: {  	v6 =	vadd.f32 v7, v6;
	v7 =	vmul.f32 v8, v8;
	_ =	sdelay $0x1  }
0x160: {  	v6 =	vadd.f32 v7, v6;
	_ =	sdelay $0x1  }
0x161: {  	vm0 =	vlt.f32 v6, $1.599999960e-01  }
0x162: {  	v6 =	vmpcnt.ones.xlane vm0;
	_ =	sdelay $0x1  }
0x163: {  	v6 =	vxor.u32 $0x80000000, v6  }
0x164: {  	(xrf0) =	vmax.scan.msk.u32 $0xffff, v6;
	_ =	sdelay $0x5  }
0x165: {  	v6, _, _ =	vpop (xrf0)  }
0x166: {  	(v2sf) =	vpush v6, $0xF;
	_ =	sdelay $0xe  }
0x167: {  	s7 =	spop (v2sf)  }
0x168: {  	v6 =	vor.u32 s5, v0;
	s7 =	sadd.s32 s7, s4  }
0x169: {  	p0 =	sgt.u32 s6, $0xFE;
	[tilespmem:s4+$0x30C0] =	vst.msk vm0, v6;
	s4 =	sadd.s32 $0x80000000, s7  }
0x16a: {  	p1 =	slt.s32 @!p0 s4, $0x20  }
0x16b: {  	p0 =	por p0, !p1  }
.Ltmp12:
0x16c: {  	_ = 	snop;
	(pc) =	sbr.rel @!p0 .LBB2_27-.Ltmp12, $2  }
0x16d: {  	_ =	sdelay $0x2  }
0x16e: {  	s6 =	sadd.s32 $0x1, s6;
	s23 =	sadd.s32 $0x10, s23;
	s5 =	sadd.s32 $0x10, s5  }
0x16f: {  	v3 =	vld.msk [tilespmem:s21+$0x0], $0xffff  }
0x170: {  	v4 =	vld [tilespmem:$0x30C0];
	_ =	sdelay $0x1  }
0x171: {  	v5 =	vmov s4  }
0x172: {  	vm0 =	vgt.s32 v5, $0x0  }
0x173: {  	vm14 =	vgt.s32 v5, v0;
	v3 =	vnsel vm0, $0x0, v3  }
0x174: {  	s23 =	sshll.u32 s0, $0x5;
	v4 =	vsel vm14, v4, v3  }
0x175: {  	s4 =	sand.u32 $0x3FFFFFE0, s23;
	v4 =	vadd.s32 v1, v4  }
0x176: {  	[tilespmem:s4+$0x36F0] =	vst v4  }
0x177: {  	v4 =	vld [tilespmem:$0x30D0]  }
0x178: {  	s0 =	sadd.s32 $0x1, s0  }
0x179: {  	p0 =	sne.s32 s0, $0x8  }
.Ltmp13:
0x17a: {  	_ = 	snop;
	(pc) =	sbr.rel @p0 .LBB2_26-.Ltmp13, $4  }
0x17b: {  	vm15 =	vgt.s32 v5, v2  }
0x17c: {  	v3 =	vsel vm15, v4, v3  }
0x17d: {  	v3 =	vadd.s32 v1, v3  }
0x17e: {  	[tilespmem:s4+$0x3700] =	vst v3  }
0x17f: {  	_ =	swait.ge [sflag:s1], $0x8000  }
0x180: {  	[sflag:s1] =	ssyncset.done $0x0  }
0x181: {  	s0 =	simm.s32 $0x36F0;
	[sflag:s1] =	ssyncadd.s32 $0xFFFF8000  }
0x182: {  	[tilespmem:s24], [sflag:$0x1] =	stream.indirect.gather [hbm4b:s3+s22], $0x80, s0, s22, $0xb8;
	[tilespmem:$0x1B8F0] =	vst v63  }
0x183: {  	_ =	swait.ge [sflag:s19], $0x8000  }
0x184: {  	[sflag:s19] =	ssyncset.done $0x0  }
0x185: {  	s0 =	simm.s32 $0x0;
	[sflag:s19] =	ssyncadd.s32 $0xFFFF8000  }
0x186: {  	[hbm4b:s13+s0] =	stream.linear.scatter [tilespmem:s30], [sflag:$0x6], $0x8000, $0x38;
	[tilespmem:$0x1B8F0] =	vst v63  }
.LBB2_30:
0x187: {  	s4 =	sor.u32 $0x38, s0  }
0x188: {  	v3 =	vmov s4  }
0x189: {  	v4 =	vor.u32 $0x78, v3  }
0x18a: {  	v5 =	vor.u32 $0xB8, v3;
	_ =	sdelay $0x2  }
0x18b: {  	v3 =	vld.idx.msk [tilespmem:v3+s18+$0x0], $0xffff  }
0x18c: {  	s23 =	simm.s32 $0x2000;
	v4 =	vld.idx.msk [tilespmem:v4+s18+$0x0], $0xffff  }
0x18d: {  	s5 =	simm.s32 $0x0;
	s6 =	simm.s32 $0x0;
	s4 =	simm.s32 $0x0;
	v5 =	vld.idx.msk [tilespmem:v5+s18+$0x0], $0xffff  }
.LBB2_31:
0x18e: {  	v6 =	vld [tilespmem:s23+$0xFFFFE000]  }
0x18f: {  	v7 =	vld [tilespmem:s23+$0xFFFFF000];
	_ =	sdelay $0x1  }
0x190: {  	v8 =	vld [tilespmem:s23+$0x0];
	_ =	sdelay $0x2  }
0x191: {  	v6 =	vsub.f32 v6, v3;
	v7 =	vsub.f32 v7, v4;
	_ =	sdelay $0x1  }
0x192: {  	v8 =	vsub.f32 v8, v5;
	v6 =	vmul.f32 v6, v6;
	v7 =	vmul.f32 v7, v7;
	_ =	sdelay $0x1  }
0x193: {  	v6 =	vadd.f32 v7, v6;
	v7 =	vmul.f32 v8, v8;
	_ =	sdelay $0x1  }
0x194: {  	v6 =	vadd.f32 v7, v6;
	_ =	sdelay $0x1  }
0x195: {  	vm0 =	vlt.f32 v6, $1.599999960e-01  }
0x196: {  	v6 =	vmpcnt.ones.xlane vm0;
	_ =	sdelay $0x1  }
0x197: {  	v6 =	vxor.u32 $0x80000000, v6  }
0x198: {  	(xrf0) =	vmax.scan.msk.u32 $0xffff, v6;
	_ =	sdelay $0x5  }
0x199: {  	v6, _, _ =	vpop (xrf0)  }
0x19a: {  	(v2sf) =	vpush v6, $0xF;
	_ =	sdelay $0xe  }
0x19b: {  	s7 =	spop (v2sf)  }
0x19c: {  	v6 =	vor.u32 s5, v0;
	s7 =	sadd.s32 s7, s4  }
0x19d: {  	p0 =	sgt.u32 s6, $0xFE;
	[tilespmem:s4+$0x30C0] =	vst.msk vm0, v6;
	s4 =	sadd.s32 $0x80000000, s7  }
0x19e: {  	p1 =	slt.s32 @!p0 s4, $0x20  }
0x19f: {  	p0 =	por p0, !p1  }
.Ltmp14:
0x1a0: {  	_ = 	snop;
	(pc) =	sbr.rel @!p0 .LBB2_31-.Ltmp14, $2  }
0x1a1: {  	_ =	sdelay $0x2  }
0x1a2: {  	s6 =	sadd.s32 $0x1, s6;
	s23 =	sadd.s32 $0x10, s23;
	s5 =	sadd.s32 $0x10, s5  }
0x1a3: {  	v3 =	vld.msk [tilespmem:s21+$0x0], $0xffff  }
0x1a4: {  	v4 =	vld [tilespmem:$0x30C0];
	_ =	sdelay $0x1  }
0x1a5: {  	v5 =	vmov s4  }
0x1a6: {  	vm0 =	vgt.s32 v5, $0x0  }
0x1a7: {  	vm14 =	vgt.s32 v5, v0;
	v3 =	vnsel vm0, $0x0, v3  }
0x1a8: {  	s23 =	sshll.u32 s0, $0x5;
	v4 =	vsel vm14, v4, v3  }
0x1a9: {  	s4 =	sand.u32 $0x3FFFFFE0, s23;
	v4 =	vadd.s32 v1, v4  }
0x1aa: {  	[tilespmem:s4+$0x37F0] =	vst v4  }
0x1ab: {  	v4 =	vld [tilespmem:$0x30D0]  }
0x1ac: {  	s0 =	sadd.s32 $0x1, s0  }
0x1ad: {  	p0 =	sne.s32 s0, $0x8  }
.Ltmp15:
0x1ae: {  	_ = 	snop;
	(pc) =	sbr.rel @p0 .LBB2_30-.Ltmp15, $4  }
0x1af: {  	vm15 =	vgt.s32 v5, v2  }
0x1b0: {  	v3 =	vsel vm15, v4, v3  }
0x1b1: {  	v3 =	vadd.s32 v1, v3  }
0x1b2: {  	[tilespmem:s4+$0x3800] =	vst v3  }
0x1b3: {  	_ =	swait.ge [sflag:s20], $0x8000  }
0x1b4: {  	[sflag:s20] =	ssyncset.done $0x0  }
0x1b5: {  	s0 =	simm.s32 $0x37F0;
	[sflag:s20] =	ssyncadd.s32 $0xFFFF8000  }
0x1b6: {  	[tilespmem:s26], [sflag:$0x2] =	stream.indirect.gather [hbm4b:s3+s22], $0x80, s0, s22, $0xb8;
	[tilespmem:$0x1B8F0] =	vst v63  }
0x1b7: {  	_ =	swait.ge [sflag:s28], $0x8000  }
0x1b8: {  	[sflag:s28] =	ssyncset.done $0x0  }
0x1b9: {  	[sflag:s28] =	ssyncadd.s32 $0xFFFF8000  }
0x1ba: {  	[hbm4b:s14+s2] =	stream.linear.scatter [tilespmem:s24], [sflag:$0x4], $0x8000, $0x38;
	[tilespmem:$0x1B8F0] =	vst v63  }
0x1bb: {  	_ =	swait.ge [sflag:s31], $0x8000  }
0x1bc: {  	[sflag:s31] =	ssyncset.done $0x0  }
0x1bd: {  	[sflag:s31] =	ssyncadd.s32 $0xFFFF8000  }
0x1be: {  	[hbm4b:s15+s2] =	stream.linear.scatter [tilespmem:s26], [sflag:$0x5], $0x8000, $0x38;
	[tilespmem:$0x1B8F0] =	vst v63  }
0x1bf: {  	_ =	swait.ge [sflag:s1], $0x8000  }
0x1c0: {  	[sflag:s1] =	ssyncset.done $0x0  }
0x1c1: {  	s29 =	sadd.s32 $0x1, s29;
	[sflag:s1] =	ssyncadd.s32 $0xFFFF8000  }
0x1c2: {  	p0 =	sne.s32 s29, s16;
	_ =	swait.ge [sflag:s20], $0x8000  }
.Ltmp16:
0x1c3: {  	[sflag:s20] =	ssyncset.done $0x0;
	(pc) =	sbr.rel @p0 .LBB2_1-.Ltmp16, $4  }
0x1c4: {  	[sflag:s20] =	ssyncadd.s32 $0xFFFF8000  }
0x1c5: {  	_ =	swait.ge [sflag:s25], $0x8000  }
0x1c6: {  	[sflag:s25] =	ssyncset.done $0x0  }
0x1c7: {  	[sflag:s25] =	ssyncadd.s32 $0xFFFF8000  }
0x1c8: {  	_ =	sfence.sel $0x180000  }
0x1c9: {  	[bflag:$0x0] =	sbarrier.arrive $0xFFFF  }
0x1ca: {  	_ =	strace $0x90000047  }
0x1cb: {  	s0 =	stileid.u32;
	[bflag:$0x2] =	sbarrier.arrive $0xFFFF  }
0x1cc: {  	p0 =	sne.s32 s0, $0x0;
	s0 =	rddreg [dreg:$0x2]  }
0x1cd: {  	s0 =	sadd.s32 @!p0 $0x100000, s0  }
0x1ce: {  	[sflag:s0] =	ssyncadd.tile.s32 @!p0 $0x1;
	_ =	shalt  }
.Lfunc_end2:
_tile_overlayer_lowered:
.L_overlay_start_2:
0x1cf: {  	(tag) =	ssettag $0x2  }
0x1d0: {  	s0 =	rddreg [dreg:$0x0];
	s2 =	stileid.u32  }
0x1d1: {  	s1 =	rddreg [dreg:$0x1];
	p0 =	sne.s32 s2, $0x0  }
0x1d2: {  	s3 =	rddreg [dreg:$0x2];
	[bflag:$0x3] =	sbarrier.arrive $0xFFFF;
	s2 =	simm.s32 @!p0 $0x1C07  }
0x1d3: {  	[timem:s3], [sflag:s2] =	dma.local @!p0 [hbm:s0], s1  }
0x1d4: {  	s0 =	simm.s32 @!p0 $0x7  }
0x1d5: {  	_ =	swait.ge @!p0 [sflag:s0], s1  }
0x1d6: {  	s1 =	ssub.s32 @!p0 $0x0, s1;
	[sflag:s0] =	ssyncset.done @!p0 $0x0  }
0x1d7: {  	[sflag:s0] =	ssyncadd.s32 @!p0 s1  }
0x1d8: {  	[bflag:$0x3] =	sbarrier.arrive $0xFFFF  }
0x1d9: {  	_ =	shalt  }

</sc_bundles>
